<compile_context>
chip_gen: v7x
topology: tpu7x:2x2x1
jax: 0.10.2.dev20260603
libtpu: 0.0.44.dev20260713+nightly
codegen_flags: <defaults>
</compile_context>

<pallas_src>
import jax
import jax.numpy as jnp
from jax import lax
from jax.experimental import pallas as pl
from jax.experimental.pallas import tpu as pltpu
from jax.experimental.pallas import tpu_sc as plsc

D_MODEL = 1024
GATE_DIM = D_MODEL // 2
POS_DIM = D_MODEL // 4
PARAM_DIM = D_MODEL - GATE_DIM - POS_DIM
SEQ_LEN = 8192
N_GATE_TYPES = 20

NC = 2
NS = 16
L = 16
NW = NC * NS
ROWS_PER_W = SEQ_LEN // NW
CHUNK = 16
NCHUNKS = ROWS_PER_W // CHUNK
NBUF = 4


def _body(x_h, gid_h, gate_h, w_h, bp_h, bq_h, pos_h, out_h,
          b0, b1, b2, b3, gatebuf, wbuf, biasbuf, xbuf, gidb,
          si0, si1, si2, si3, so0, so1, so2, so3):
    wid = lax.axis_index("s") * NC + lax.axis_index("c")
    base = wid * ROWS_PER_W
    bufs = (b0, b1, b2, b3)
    sin = (si0, si1, si2, si3)
    sout = (so0, so1, so2, so3)

    pltpu.sync_copy(gate_h, gatebuf)
    pltpu.sync_copy(w_h, wbuf)
    pltpu.sync_copy(bp_h, biasbuf.at[pl.ds(0, POS_DIM)])
    pltpu.sync_copy(bq_h, biasbuf.at[pl.ds(POS_DIM, PARAM_DIM)])
    pltpu.sync_copy(x_h.at[pl.ds(base * 4, ROWS_PER_W * 4)], xbuf)
    pltpu.sync_copy(gid_h.at[pl.ds(base, ROWS_PER_W)],
                    gidb.at[pl.ds(0, ROWS_PER_W)])

    vc = [jnp.full((L,), c, jnp.int32) for c in range(4)]

    def in_slice(c):
        return pos_h.at[pl.ds(base + c * CHUNK, CHUNK), :]

    def out_slice(c):
        return out_h.at[pl.ds(base + c * CHUNK, CHUNK), :]

    def compute(buf, c):
        @plsc.parallel_loop(0, CHUNK, step=2)
        def row(r):
            ri = c * CHUNK + r
            vra = jnp.full((L,), ri * 4, jnp.int32)
            vrb = jnp.full((L,), (ri + 1) * 4, jnp.int32)
            v1a = plsc.load_gather(xbuf, [vra + vc[1]])
            v2a = plsc.load_gather(xbuf, [vra + vc[2]])
            v3a = plsc.load_gather(xbuf, [vra + vc[3]])
            v1b = plsc.load_gather(xbuf, [vrb + vc[1]])
            v2b = plsc.load_gather(xbuf, [vrb + vc[2]])
            v3b = plsc.load_gather(xbuf, [vrb + vc[3]])
            ga = gidb[pl.ds(ri, L)][0]
            gb = gidb[pl.ds(ri + 1, L)][0]

            @plsc.parallel_loop(0, GATE_DIM // L, unroll=4)
            def gate_k(k):
                sl = pl.ds(k * L, L)
                plsc.addupdate(buf.at[r, sl], gatebuf[ga, sl])
                plsc.addupdate(buf.at[r + 1, sl], gatebuf[gb, sl])

            @plsc.parallel_loop(0, POS_DIM // L, unroll=4)
            def pos_k(k):
                sl = pl.ds(GATE_DIM + k * L, L)
                w0 = wbuf[pl.ds(k * L, L)]
                w1 = wbuf[pl.ds(POS_DIM + k * L, L)]
                bb = biasbuf[pl.ds(k * L, L)]
                plsc.addupdate(buf.at[r, sl], bb + (v1a * w0 + v2a * w1))
                plsc.addupdate(buf.at[r + 1, sl], bb + (v1b * w0 + v2b * w1))

            @plsc.parallel_loop(0, PARAM_DIM // L, unroll=4)
            def param_k(k):
                sl = pl.ds(GATE_DIM + POS_DIM + k * L, L)
                wq = wbuf[pl.ds(2 * POS_DIM + k * L, L)]
                bq = biasbuf[pl.ds(POS_DIM + k * L, L)]
                plsc.addupdate(buf.at[r, sl], bq + v3a * wq)
                plsc.addupdate(buf.at[r + 1, sl], bq + v3b * wq)

    for j in range(NBUF - 1):
        pltpu.async_copy(in_slice(j), bufs[j], sin[j])

    def outer(i, carry):
        for j in range(NBUF):
            c = i * NBUF + j
            pltpu.make_async_copy(in_slice(c), bufs[j], sin[j]).wait()
            compute(bufs[j], c)
            pltpu.async_copy(bufs[j], out_slice(c), sout[j])
            jn = (j + NBUF - 1) % NBUF

            @pl.when((c >= 1) & (c <= NCHUNKS - NBUF))
            def _wait_prev_out():
                pltpu.make_async_copy(bufs[jn], out_slice(c - 1),
                                      sout[jn]).wait()

            @pl.when(c <= NCHUNKS - NBUF)
            def _issue_next_in():
                pltpu.async_copy(in_slice(c + NBUF - 1), bufs[jn], sin[jn])

        return carry

    lax.fori_loop(0, NCHUNKS // NBUF, outer, 0)
    for j in range(NBUF):
        pltpu.make_async_copy(bufs[j], out_slice(NCHUNKS - NBUF + j),
                              sout[j]).wait()


_sc_call = pl.kernel(
    _body,
    out_type=jax.ShapeDtypeStruct((SEQ_LEN, D_MODEL), jnp.float32),
    mesh=plsc.VectorSubcoreMesh(core_axis_name="c", subcore_axis_name="s",
                                num_cores=NC, num_subcores=NS),
    compiler_params=pltpu.CompilerParams(needs_layout_passes=False),
    scratch_types=(
        [pltpu.VMEM((CHUNK, D_MODEL), jnp.float32) for _ in range(NBUF)]
        + [pltpu.VMEM((N_GATE_TYPES, GATE_DIM), jnp.float32),
           pltpu.VMEM((2 * POS_DIM + PARAM_DIM,), jnp.float32),
           pltpu.VMEM((POS_DIM + PARAM_DIM,), jnp.float32),
           pltpu.VMEM((ROWS_PER_W * 4,), jnp.float32),
           pltpu.VMEM((ROWS_PER_W + L,), jnp.int32)]
        + [pltpu.SemaphoreType.DMA for _ in range(2 * NBUF)]
    ),
)


def kernel(x, gate_table, pos_table, W_pos, b_pos, W_param, b_param):
    wcat = jnp.concatenate([W_pos[:, 0], W_pos[:, 1], W_param[:, 0]])
    gid = x[:, 0].astype(jnp.int32)
    return _sc_call(x.reshape(-1), gid, gate_table, wcat, b_pos, b_param,
                    pos_table)

# --- scband reference (transcript-rebuilt; emitter-appended) ---
"""Pipeline reference for scband-quantum-gate-sequence-embedding-61211873903106 (READ-ONLY COPY).

The authoritative reference and input builder live on the scoring server;
editing this copy changes nothing except your own understanding.
"""

import jax, jax.numpy as jnp
import numpy as np

D_MODEL = 1024
N_GATE_TYPES = 20
MAX_POS = 8192
SEQ_LEN = 8192
GATE_DIM = D_MODEL // 2
POS_DIM = D_MODEL // 4
PARAM_DIM = D_MODEL - GATE_DIM - POS_DIM


def setup_inputs(seed: int = 0) -> dict:
    key = jax.random.key(seed)
    ks = jax.random.split(key, 7)
    # x: [episode_time_len, features>=4]; col0 in [0,1) so .astype(int)=0 is a valid gate id
    x = jax.random.uniform(ks[0], (SEQ_LEN, 4), dtype=jnp.float32)
    gate_table = jax.random.normal(ks[1], (N_GATE_TYPES, GATE_DIM), dtype=jnp.float32)
    pos_table = jax.random.normal(ks[2], (MAX_POS, D_MODEL), dtype=jnp.float32)
    W_pos = jax.random.normal(ks[3], (POS_DIM, 2), dtype=jnp.float32) * 0.05
    b_pos = jnp.zeros((POS_DIM,), dtype=jnp.float32)
    W_param = jax.random.normal(ks[4], (PARAM_DIM, 1), dtype=jnp.float32) * 0.05
    b_param = jnp.zeros((PARAM_DIM,), dtype=jnp.float32)
    return {"x": x, "gate_table": gate_table, "pos_table": pos_table,
            "W_pos": W_pos, "b_pos": b_pos, "W_param": W_param, "b_param": b_param}


def reference(x, gate_table, pos_table, W_pos, b_pos, W_param, b_param):
    # Faithful translation of QuantumGateSequenceEmbedding.state
    episode_time_len = x.shape[0]
    position_indices = jnp.arange(episode_time_len)
    position_emb = jnp.take(pos_table, position_indices, axis=0)  # nn.Embedding lookup
    gate_type_ids = x[:, 0].astype(jnp.int32)
    positions = x[:, 1:3]
    parameters = x[:, 3:4]
    gate_embedded = jnp.take(gate_table, gate_type_ids, axis=0)   # nn.Embedding lookup
    position_embedded = positions @ W_pos.T + b_pos               # nn.Linear(2, pos_dim)
    param_embedded = parameters @ W_param.T + b_param             # nn.Linear(1, param_dim)
    state_encoded = jnp.concatenate([gate_embedded, position_embedded, param_embedded], axis=-1)
    state = state_encoded + position_emb
    return state

if __name__ == "__main__":
    import jax
    _d = setup_inputs()
    print(jax.jit(kernel)(*tuple(_d.values())))

</pallas_src>

<mosaic_0001>
#map = affine_map<(d0, d1) -> (0)>
#map1 = affine_map<(d0, d1) -> (0, 0)>
module attributes {stable_mosaic.version = 14 : i64} {
  func.func @_body(%arg0: i32, %arg1: i32, %arg2: memref<32768xf32, #tpu.memory_space<hbm>>, %arg3: memref<8192xi32, #tpu.memory_space<hbm>>, %arg4: memref<20x512xf32, #tpu.memory_space<hbm>>, %arg5: memref<768xf32, #tpu.memory_space<hbm>>, %arg6: memref<256xf32, #tpu.memory_space<hbm>>, %arg7: memref<256xf32, #tpu.memory_space<hbm>>, %arg8: memref<8192x1024xf32, #tpu.memory_space<hbm>>, %arg9: memref<8192x1024xf32, #tpu.memory_space<hbm>>, %arg10: memref<16x1024xf32, #tpu.memory_space<vmem>>, %arg11: memref<16x1024xf32, #tpu.memory_space<vmem>>, %arg12: memref<16x1024xf32, #tpu.memory_space<vmem>>, %arg13: memref<16x1024xf32, #tpu.memory_space<vmem>>, %arg14: memref<20x512xf32, #tpu.memory_space<vmem>>, %arg15: memref<768xf32, #tpu.memory_space<vmem>>, %arg16: memref<512xf32, #tpu.memory_space<vmem>>, %arg17: memref<1024xf32, #tpu.memory_space<vmem>>, %arg18: memref<272xi32, #tpu.memory_space<vmem>>, %arg19: memref<!tpu.dma_semaphore, #tpu.memory_space<semaphore_mem>>, %arg20: memref<!tpu.dma_semaphore, #tpu.memory_space<semaphore_mem>>, %arg21: memref<!tpu.dma_semaphore, #tpu.memory_space<semaphore_mem>>, %arg22: memref<!tpu.dma_semaphore, #tpu.memory_space<semaphore_mem>>, %arg23: memref<!tpu.dma_semaphore, #tpu.memory_space<semaphore_mem>>, %arg24: memref<!tpu.dma_semaphore, #tpu.memory_space<semaphore_mem>>, %arg25: memref<!tpu.dma_semaphore, #tpu.memory_space<semaphore_mem>>, %arg26: memref<!tpu.dma_semaphore, #tpu.memory_space<semaphore_mem>>) attributes {dimension_semantics = [#tpu.dimension_semantics<core_parallel>, #tpu.dimension_semantics<subcore_parallel>], iteration_bounds = array<i64: 2, 16>, scalar_prefetch = 0 : i64, scratch_operands = 17 : i64, tpu.core_type = #tpu.core_type<sc_vector_subcore>, window_params = [{transform_indices = #map}, {transform_indices = #map}, {transform_indices = #map1}, {transform_indices = #map}, {transform_indices = #map}, {transform_indices = #map}, {transform_indices = #map1}, {transform_indices = #map1}]} {
    %mul3A = arith.constant 2 : i32
    %mul3A_0 = arith.muli %arg1, %mul3A : i32
    %add3A = arith.addi %mul3A_0, %arg0 : i32
    %mul3A_1 = arith.constant 256 : i32
    %mul3A_2 = arith.muli %add3A, %mul3A_1 : i32
    "tpu.region"() ({
      %run_scoped3A = tpu.sem_alloc : memref<!tpu.dma_semaphore, #tpu.memory_space<semaphore_mem>>
      tpu.enqueue_dma source(%arg4 : memref<20x512xf32, #tpu.memory_space<hbm>>) target(%arg14 : memref<20x512xf32, #tpu.memory_space<vmem>>) target_semaphore(%run_scoped3A : memref<!tpu.dma_semaphore, #tpu.memory_space<semaphore_mem>>)
      tpu.wait_dma2 semaphore(%run_scoped3A : memref<!tpu.dma_semaphore, #tpu.memory_space<semaphore_mem>>) src(%arg4 : memref<20x512xf32, #tpu.memory_space<hbm>>) dst(%arg14 : memref<20x512xf32, #tpu.memory_space<vmem>>)
      tpu.yield
    }) : () -> ()
    "tpu.region"() ({
      %run_scoped3A = tpu.sem_alloc : memref<!tpu.dma_semaphore, #tpu.memory_space<semaphore_mem>>
      tpu.enqueue_dma source(%arg5 : memref<768xf32, #tpu.memory_space<hbm>>) target(%arg15 : memref<768xf32, #tpu.memory_space<vmem>>) target_semaphore(%run_scoped3A : memref<!tpu.dma_semaphore, #tpu.memory_space<semaphore_mem>>)
      tpu.wait_dma2 semaphore(%run_scoped3A : memref<!tpu.dma_semaphore, #tpu.memory_space<semaphore_mem>>) src(%arg5 : memref<768xf32, #tpu.memory_space<hbm>>) dst(%arg15 : memref<768xf32, #tpu.memory_space<vmem>>)
      tpu.yield
    }) : () -> ()
    "tpu.region"() ({
      %run_scoped3A = tpu.sem_alloc : memref<!tpu.dma_semaphore, #tpu.memory_space<semaphore_mem>>
      %dma_start3A_57 = arith.constant 0 : i32
      %dma_start3A_58 = tpu.memref_slice %arg16[%dma_start3A_57] : memref<512xf32, #tpu.memory_space<vmem>> -> memref<256xf32, #tpu.memory_space<vmem>>
      %dma_start3A_59 = arith.constant 0 : i32
      %dma_start3A_60 = tpu.memref_slice %arg16[%dma_start3A_59] : memref<512xf32, #tpu.memory_space<vmem>> -> memref<256xf32, #tpu.memory_space<vmem>>
      tpu.enqueue_dma source(%arg6 : memref<256xf32, #tpu.memory_space<hbm>>) target(%dma_start3A_60 : memref<256xf32, #tpu.memory_space<vmem>>) target_semaphore(%run_scoped3A : memref<!tpu.dma_semaphore, #tpu.memory_space<semaphore_mem>>)
      %dma_wait3A_61 = arith.constant 0 : i32
      %dma_wait3A_62 = tpu.memref_slice %arg16[%dma_wait3A_61] : memref<512xf32, #tpu.memory_space<vmem>> -> memref<256xf32, #tpu.memory_space<vmem>>
      %dma_wait3A_63 = arith.constant 0 : i32
      %dma_wait3A_64 = tpu.memref_slice %arg16[%dma_wait3A_63] : memref<512xf32, #tpu.memory_space<vmem>> -> memref<256xf32, #tpu.memory_space<vmem>>
      tpu.wait_dma2 semaphore(%run_scoped3A : memref<!tpu.dma_semaphore, #tpu.memory_space<semaphore_mem>>) src(%arg6 : memref<256xf32, #tpu.memory_space<hbm>>) dst(%dma_wait3A_64 : memref<256xf32, #tpu.memory_space<vmem>>)
      tpu.yield
    }) : () -> ()
    "tpu.region"() ({
      %run_scoped3A = tpu.sem_alloc : memref<!tpu.dma_semaphore, #tpu.memory_space<semaphore_mem>>
      %dma_start3A_57 = arith.constant 256 : i32
      %dma_start3A_58 = tpu.memref_slice %arg16[%dma_start3A_57] : memref<512xf32, #tpu.memory_space<vmem>> -> memref<256xf32, #tpu.memory_space<vmem>>
      %dma_start3A_59 = arith.constant 256 : i32
      %dma_start3A_60 = tpu.memref_slice %arg16[%dma_start3A_59] : memref<512xf32, #tpu.memory_space<vmem>> -> memref<256xf32, #tpu.memory_space<vmem>>
      tpu.enqueue_dma source(%arg7 : memref<256xf32, #tpu.memory_space<hbm>>) target(%dma_start3A_60 : memref<256xf32, #tpu.memory_space<vmem>>) target_semaphore(%run_scoped3A : memref<!tpu.dma_semaphore, #tpu.memory_space<semaphore_mem>>)
      %dma_wait3A_61 = arith.constant 256 : i32
      %dma_wait3A_62 = tpu.memref_slice %arg16[%dma_wait3A_61] : memref<512xf32, #tpu.memory_space<vmem>> -> memref<256xf32, #tpu.memory_space<vmem>>
      %dma_wait3A_63 = arith.constant 256 : i32
      %dma_wait3A_64 = tpu.memref_slice %arg16[%dma_wait3A_63] : memref<512xf32, #tpu.memory_space<vmem>> -> memref<256xf32, #tpu.memory_space<vmem>>
      tpu.wait_dma2 semaphore(%run_scoped3A : memref<!tpu.dma_semaphore, #tpu.memory_space<semaphore_mem>>) src(%arg7 : memref<256xf32, #tpu.memory_space<hbm>>) dst(%dma_wait3A_64 : memref<256xf32, #tpu.memory_space<vmem>>)
      tpu.yield
    }) : () -> ()
    %mul3A_3 = arith.constant 4 : i32
    %mul3A_4 = arith.muli %mul3A_2, %mul3A_3 : i32
    "tpu.region"() ({
      %run_scoped3A = tpu.sem_alloc : memref<!tpu.dma_semaphore, #tpu.memory_space<semaphore_mem>>
      %dma_start3A_57 = tpu.memref_slice %arg2[%mul3A_4] : memref<32768xf32, #tpu.memory_space<hbm>> -> memref<1024xf32, #tpu.memory_space<hbm>>
      %dma_start3A_58 = tpu.memref_slice %arg2[%mul3A_4] : memref<32768xf32, #tpu.memory_space<hbm>> -> memref<1024xf32, #tpu.memory_space<hbm>>
      tpu.enqueue_dma source(%dma_start3A_58 : memref<1024xf32, #tpu.memory_space<hbm>>) target(%arg17 : memref<1024xf32, #tpu.memory_space<vmem>>) target_semaphore(%run_scoped3A : memref<!tpu.dma_semaphore, #tpu.memory_space<semaphore_mem>>)
      %dma_wait3A_59 = tpu.memref_slice %arg2[%mul3A_4] : memref<32768xf32, #tpu.memory_space<hbm>> -> memref<1024xf32, #tpu.memory_space<hbm>>
      %dma_wait3A_60 = tpu.memref_slice %arg2[%mul3A_4] : memref<32768xf32, #tpu.memory_space<hbm>> -> memref<1024xf32, #tpu.memory_space<hbm>>
      tpu.wait_dma2 semaphore(%run_scoped3A : memref<!tpu.dma_semaphore, #tpu.memory_space<semaphore_mem>>) src(%dma_wait3A_60 : memref<1024xf32, #tpu.memory_space<hbm>>) dst(%arg17 : memref<1024xf32, #tpu.memory_space<vmem>>)
      tpu.yield
    }) : () -> ()
    "tpu.region"() ({
      %run_scoped3A = tpu.sem_alloc : memref<!tpu.dma_semaphore, #tpu.memory_space<semaphore_mem>>
      %dma_start3A_57 = arith.constant 0 : i32
      %dma_start3A_58 = tpu.memref_slice %arg18[%dma_start3A_57] : memref<272xi32, #tpu.memory_space<vmem>> -> memref<256xi32, #tpu.memory_space<vmem>>
      %dma_start3A_59 = tpu.memref_slice %arg3[%mul3A_2] : memref<8192xi32, #tpu.memory_space<hbm>> -> memref<256xi32, #tpu.memory_space<hbm>>
      %dma_start3A_60 = arith.constant 0 : i32
      %dma_start3A_61 = tpu.memref_slice %arg18[%dma_start3A_60] : memref<272xi32, #tpu.memory_space<vmem>> -> memref<256xi32, #tpu.memory_space<vmem>>
      %dma_start3A_62 = tpu.memref_slice %arg3[%mul3A_2] : memref<8192xi32, #tpu.memory_space<hbm>> -> memref<256xi32, #tpu.memory_space<hbm>>
      tpu.enqueue_dma source(%dma_start3A_62 : memref<256xi32, #tpu.memory_space<hbm>>) target(%dma_start3A_61 : memref<256xi32, #tpu.memory_space<vmem>>) target_semaphore(%run_scoped3A : memref<!tpu.dma_semaphore, #tpu.memory_space<semaphore_mem>>)
      %dma_wait3A_63 = arith.constant 0 : i32
      %dma_wait3A_64 = tpu.memref_slice %arg18[%dma_wait3A_63] : memref<272xi32, #tpu.memory_space<vmem>> -> memref<256xi32, #tpu.memory_space<vmem>>
      %dma_wait3A_65 = tpu.memref_slice %arg3[%mul3A_2] : memref<8192xi32, #tpu.memory_space<hbm>> -> memref<256xi32, #tpu.memory_space<hbm>>
      %dma_wait3A_66 = arith.constant 0 : i32
      %dma_wait3A_67 = tpu.memref_slice %arg18[%dma_wait3A_66] : memref<272xi32, #tpu.memory_space<vmem>> -> memref<256xi32, #tpu.memory_space<vmem>>
      %dma_wait3A_68 = tpu.memref_slice %arg3[%mul3A_2] : memref<8192xi32, #tpu.memory_space<hbm>> -> memref<256xi32, #tpu.memory_space<hbm>>
      tpu.wait_dma2 semaphore(%run_scoped3A : memref<!tpu.dma_semaphore, #tpu.memory_space<semaphore_mem>>) src(%dma_wait3A_68 : memref<256xi32, #tpu.memory_space<hbm>>) dst(%dma_wait3A_67 : memref<256xi32, #tpu.memory_space<vmem>>)
      tpu.yield
    }) : () -> ()
    %broadcast_in_dim3A = arith.constant 0 : i32
    %broadcast_in_dim3A_5 = vector.broadcast %broadcast_in_dim3A : i32 to vector<16xi32>
    %broadcast_in_dim3A_6 = arith.constant 1 : i32
    %broadcast_in_dim3A_7 = vector.broadcast %broadcast_in_dim3A_6 : i32 to vector<16xi32>
    %broadcast_in_dim3A_8 = arith.constant 2 : i32
    %broadcast_in_dim3A_9 = vector.broadcast %broadcast_in_dim3A_8 : i32 to vector<16xi32>
    %broadcast_in_dim3A_10 = arith.constant 3 : i32
    %broadcast_in_dim3A_11 = vector.broadcast %broadcast_in_dim3A_10 : i32 to vector<16xi32>
    %add3A_12 = arith.constant 0 : i32
    %add3A_13 = arith.addi %mul3A_2, %add3A_12 : i32
    %dma_start3A = arith.constant 0 : i32
    %dma_start3A_14 = tpu.memref_slice %arg8[%add3A_13, %dma_start3A] : memref<8192x1024xf32, #tpu.memory_space<hbm>> -> memref<16x1024xf32, #tpu.memory_space<hbm>>
    %dma_start3A_15 = arith.constant 0 : i32
    %dma_start3A_16 = tpu.memref_slice %arg8[%add3A_13, %dma_start3A_15] : memref<8192x1024xf32, #tpu.memory_space<hbm>> -> memref<16x1024xf32, #tpu.memory_space<hbm>>
    tpu.enqueue_dma source(%dma_start3A_16 : memref<16x1024xf32, #tpu.memory_space<hbm>>) target(%arg10 : memref<16x1024xf32, #tpu.memory_space<vmem>>) target_semaphore(%arg19 : memref<!tpu.dma_semaphore, #tpu.memory_space<semaphore_mem>>)
    %add3A_17 = arith.constant 16 : i32
    %add3A_18 = arith.addi %mul3A_2, %add3A_17 : i32
    %dma_start3A_19 = arith.constant 0 : i32
    %dma_start3A_20 = tpu.memref_slice %arg8[%add3A_18, %dma_start3A_19] : memref<8192x1024xf32, #tpu.memory_space<hbm>> -> memref<16x1024xf32, #tpu.memory_space<hbm>>
    %dma_start3A_21 = arith.constant 0 : i32
    %dma_start3A_22 = tpu.memref_slice %arg8[%add3A_18, %dma_start3A_21] : memref<8192x1024xf32, #tpu.memory_space<hbm>> -> memref<16x1024xf32, #tpu.memory_space<hbm>>
    tpu.enqueue_dma source(%dma_start3A_22 : memref<16x1024xf32, #tpu.memory_space<hbm>>) target(%arg11 : memref<16x1024xf32, #tpu.memory_space<vmem>>) target_semaphore(%arg20 : memref<!tpu.dma_semaphore, #tpu.memory_space<semaphore_mem>>)
    %add3A_23 = arith.constant 32 : i32
    %add3A_24 = arith.addi %mul3A_2, %add3A_23 : i32
    %dma_start3A_25 = arith.constant 0 : i32
    %dma_start3A_26 = tpu.memref_slice %arg8[%add3A_24, %dma_start3A_25] : memref<8192x1024xf32, #tpu.memory_space<hbm>> -> memref<16x1024xf32, #tpu.memory_space<hbm>>
    %dma_start3A_27 = arith.constant 0 : i32
    %dma_start3A_28 = tpu.memref_slice %arg8[%add3A_24, %dma_start3A_27] : memref<8192x1024xf32, #tpu.memory_space<hbm>> -> memref<16x1024xf32, #tpu.memory_space<hbm>>
    tpu.enqueue_dma source(%dma_start3A_28 : memref<16x1024xf32, #tpu.memory_space<hbm>>) target(%arg12 : memref<16x1024xf32, #tpu.memory_space<vmem>>) target_semaphore(%arg21 : memref<!tpu.dma_semaphore, #tpu.memory_space<semaphore_mem>>)
    %scan3A = arith.constant 0 : i32
    %scan3A_29 = arith.constant 0 : i32
    %scan3A_30 = arith.constant 4 : i32
    %scan3A_31 = arith.addi %scan3A_29, %scan3A_30 : i32
    %scan3A_32 = arith.constant 1 : i32
    scf.for %scan3A_57 = %scan3A_29 to %scan3A_31 step %scan3A_32  : i32 {
      %mul3A_58 = arith.constant 4 : i32
      %mul3A_59 = arith.muli %scan3A_57, %mul3A_58 : i32
      %add3A_60 = arith.constant 0 : i32
      %add3A_61 = arith.addi %mul3A_59, %add3A_60 : i32
      %mul3A_62 = arith.constant 16 : i32
      %mul3A_63 = arith.muli %add3A_61, %mul3A_62 : i32
      %add3A_64 = arith.addi %mul3A_2, %mul3A_63 : i32
      %dma_wait3A_65 = arith.constant 0 : i32
      %dma_wait3A_66 = tpu.memref_slice %arg8[%add3A_64, %dma_wait3A_65] : memref<8192x1024xf32, #tpu.memory_space<hbm>> -> memref<16x1024xf32, #tpu.memory_space<hbm>>
      %dma_wait3A_67 = arith.constant 0 : i32
      %dma_wait3A_68 = tpu.memref_slice %arg8[%add3A_64, %dma_wait3A_67] : memref<8192x1024xf32, #tpu.memory_space<hbm>> -> memref<16x1024xf32, #tpu.memory_space<hbm>>
      tpu.wait_dma2 semaphore(%arg19 : memref<!tpu.dma_semaphore, #tpu.memory_space<semaphore_mem>>) src(%dma_wait3A_68 : memref<16x1024xf32, #tpu.memory_space<hbm>>) dst(%arg10 : memref<16x1024xf32, #tpu.memory_space<vmem>>)
      %parallel_loop3A = arith.constant 0 : i32
      %parallel_loop3A_69 = arith.constant 16 : i32
      %parallel_loop3A_70 = arith.constant 2 : i32
      scf.for %parallel_loop3A_188 = %parallel_loop3A to %parallel_loop3A_69 step %parallel_loop3A_70  : i32 {
        %parallel_loop3A_189 = arith.constant 16 : i32
        %parallel_loop3A_190 = arith.muli %add3A_61, %parallel_loop3A_189 : i32
        %parallel_loop3A_191 = arith.addi %parallel_loop3A_190, %parallel_loop3A_188 : i32
        %parallel_loop3A_192 = arith.constant 4 : i32
        %parallel_loop3A_193 = arith.muli %parallel_loop3A_191, %parallel_loop3A_192 : i32
        %parallel_loop3A_194 = vector.broadcast %parallel_loop3A_193 : i32 to vector<16xi32>
        %parallel_loop3A_195 = arith.constant 1 : i32
        %parallel_loop3A_196 = arith.addi %parallel_loop3A_191, %parallel_loop3A_195 : i32
        %parallel_loop3A_197 = arith.constant 4 : i32
        %parallel_loop3A_198 = arith.muli %parallel_loop3A_196, %parallel_loop3A_197 : i32
        %parallel_loop3A_199 = vector.broadcast %parallel_loop3A_198 : i32 to vector<16xi32>
        %parallel_loop3A_200 = arith.addi %parallel_loop3A_194, %broadcast_in_dim3A_7 : vector<16xi32>
        %parallel_loop3A_201 = tpu.vector_load_idx %arg17[%parallel_loop3A_200] : memref<1024xf32, #tpu.memory_space<vmem>>[vector<16xi32>], vector<16xf32>,
        %parallel_loop3A_202 = arith.addi %parallel_loop3A_194, %broadcast_in_dim3A_9 : vector<16xi32>
        %parallel_loop3A_203 = tpu.vector_load_idx %arg17[%parallel_loop3A_202] : memref<1024xf32, #tpu.memory_space<vmem>>[vector<16xi32>], vector<16xf32>,
        %parallel_loop3A_204 = arith.addi %parallel_loop3A_194, %broadcast_in_dim3A_11 : vector<16xi32>
        %parallel_loop3A_205 = tpu.vector_load_idx %arg17[%parallel_loop3A_204] : memref<1024xf32, #tpu.memory_space<vmem>>[vector<16xi32>], vector<16xf32>,
        %parallel_loop3A_206 = arith.addi %parallel_loop3A_199, %broadcast_in_dim3A_7 : vector<16xi32>
        %parallel_loop3A_207 = tpu.vector_load_idx %arg17[%parallel_loop3A_206] : memref<1024xf32, #tpu.memory_space<vmem>>[vector<16xi32>], vector<16xf32>,
        %parallel_loop3A_208 = arith.addi %parallel_loop3A_199, %broadcast_in_dim3A_9 : vector<16xi32>
        %parallel_loop3A_209 = tpu.vector_load_idx %arg17[%parallel_loop3A_208] : memref<1024xf32, #tpu.memory_space<vmem>>[vector<16xi32>], vector<16xf32>,
        %parallel_loop3A_210 = arith.addi %parallel_loop3A_199, %broadcast_in_dim3A_11 : vector<16xi32>
        %parallel_loop3A_211 = tpu.vector_load_idx %arg17[%parallel_loop3A_210] : memref<1024xf32, #tpu.memory_space<vmem>>[vector<16xi32>], vector<16xf32>,
        %parallel_loop3A_212 = arith.index_cast %parallel_loop3A_191 : i32 to index
        %parallel_loop3A_213 = tpu.vector_load %arg18[%parallel_loop3A_212] {strides = array<i32>} : memref<272xi32, #tpu.memory_space<vmem>>, vector<16xi32>,
        %parallel_loop3A_214 = vector.extract_strided_slice %parallel_loop3A_213 {offsets = [0], sizes = [1], strides = [1]} : vector<16xi32> to vector<1xi32>
        %parallel_loop3A_215 = vector.extract %parallel_loop3A_214[0] : i32 from vector<1xi32>
        %parallel_loop3A_216 = arith.constant 1 : i32
        %parallel_loop3A_217 = arith.addi %parallel_loop3A_191, %parallel_loop3A_216 : i32
        %parallel_loop3A_218 = arith.index_cast %parallel_loop3A_217 : i32 to index
        %parallel_loop3A_219 = tpu.vector_load %arg18[%parallel_loop3A_218] {strides = array<i32>} : memref<272xi32, #tpu.memory_space<vmem>>, vector<16xi32>,
        %parallel_loop3A_220 = vector.extract_strided_slice %parallel_loop3A_219 {offsets = [0], sizes = [1], strides = [1]} : vector<16xi32> to vector<1xi32>
        %parallel_loop3A_221 = vector.extract %parallel_loop3A_220[0] : i32 from vector<1xi32>
        %parallel_loop3A_222 = arith.constant 0 : i32
        %parallel_loop3A_223 = arith.constant 32 : i32
        %parallel_loop3A_224 = arith.constant 1 : i32
        scf.for %parallel_loop3A_231 = %parallel_loop3A_222 to %parallel_loop3A_223 step %parallel_loop3A_224  : i32 {
          %parallel_loop3A_232 = arith.constant 16 : i32
          %parallel_loop3A_233 = arith.muli %parallel_loop3A_231, %parallel_loop3A_232 : i32
          %parallel_loop3A_234 = arith.index_cast %parallel_loop3A_215 : i32 to index
          %parallel_loop3A_235 = arith.index_cast %parallel_loop3A_233 : i32 to index
          %parallel_loop3A_236 = tpu.vector_load %arg14[%parallel_loop3A_234, %parallel_loop3A_235] {strides = array<i32>} : memref<20x512xf32, #tpu.memory_space<vmem>>, vector<16xf32>,
          %parallel_loop3A_237 = arith.index_cast %parallel_loop3A_188 : i32 to index
          %parallel_loop3A_238 = arith.index_cast %parallel_loop3A_233 : i32 to index
          %parallel_loop3A_239 = tpu.vector_load %arg10[%parallel_loop3A_237, %parallel_loop3A_238] {strides = array<i32>} : memref<16x1024xf32, #tpu.memory_space<vmem>>, vector<16xf32>,
          tpu.vector_store %arg10[%parallel_loop3A_237, %parallel_loop3A_238], %parallel_loop3A_236 {add = true, strides = array<i32>} : memref<16x1024xf32, #tpu.memory_space<vmem>>, vector<16xf32>,
          %parallel_loop3A_240 = arith.constant 1 : i32
          %parallel_loop3A_241 = arith.addi %parallel_loop3A_188, %parallel_loop3A_240 : i32
          %parallel_loop3A_242 = arith.index_cast %parallel_loop3A_221 : i32 to index
          %parallel_loop3A_243 = arith.index_cast %parallel_loop3A_233 : i32 to index
          %parallel_loop3A_244 = tpu.vector_load %arg14[%parallel_loop3A_242, %parallel_loop3A_243] {strides = array<i32>} : memref<20x512xf32, #tpu.memory_space<vmem>>, vector<16xf32>,
          %parallel_loop3A_245 = arith.index_cast %parallel_loop3A_241 : i32 to index
          %parallel_loop3A_246 = arith.index_cast %parallel_loop3A_233 : i32 to index
          %parallel_loop3A_247 = tpu.vector_load %arg10[%parallel_loop3A_245, %parallel_loop3A_246] {strides = array<i32>} : memref<16x1024xf32, #tpu.memory_space<vmem>>, vector<16xf32>,
          tpu.vector_store %arg10[%parallel_loop3A_245, %parallel_loop3A_246], %parallel_loop3A_244 {add = true, strides = array<i32>} : memref<16x1024xf32, #tpu.memory_space<vmem>>, vector<16xf32>,
        } {sc.loop_unroll_factor = 4 : i64, sc.parallel_access}
        %parallel_loop3A_225 = arith.constant 0 : i32
        %parallel_loop3A_226 = arith.constant 16 : i32
        %parallel_loop3A_227 = arith.constant 1 : i32
        scf.for %parallel_loop3A_231 = %parallel_loop3A_225 to %parallel_loop3A_226 step %parallel_loop3A_227  : i32 {
          %parallel_loop3A_232 = arith.constant 16 : i32
          %parallel_loop3A_233 = arith.muli %parallel_loop3A_231, %parallel_loop3A_232 : i32
          %parallel_loop3A_234 = arith.constant 512 : i32
          %parallel_loop3A_235 = arith.addi %parallel_loop3A_234, %parallel_loop3A_233 : i32
          %parallel_loop3A_236 = arith.constant 16 : i32
          %parallel_loop3A_237 = arith.muli %parallel_loop3A_231, %parallel_loop3A_236 : i32
          %parallel_loop3A_238 = arith.index_cast %parallel_loop3A_237 : i32 to index
          %parallel_loop3A_239 = tpu.vector_load %arg15[%parallel_loop3A_238] {strides = array<i32>} : memref<768xf32, #tpu.memory_space<vmem>>, vector<16xf32>,
          %parallel_loop3A_240 = arith.constant 16 : i32
          %parallel_loop3A_241 = arith.muli %parallel_loop3A_231, %parallel_loop3A_240 : i32
          %parallel_loop3A_242 = arith.constant 256 : i32
          %parallel_loop3A_243 = arith.addi %parallel_loop3A_242, %parallel_loop3A_241 : i32
          %parallel_loop3A_244 = arith.index_cast %parallel_loop3A_243 : i32 to index
          %parallel_loop3A_245 = tpu.vector_load %arg15[%parallel_loop3A_244] {strides = array<i32>} : memref<768xf32, #tpu.memory_space<vmem>>, vector<16xf32>,
          %parallel_loop3A_246 = arith.constant 16 : i32
          %parallel_loop3A_247 = arith.muli %parallel_loop3A_231, %parallel_loop3A_246 : i32
          %parallel_loop3A_248 = arith.index_cast %parallel_loop3A_247 : i32 to index
          %parallel_loop3A_249 = tpu.vector_load %arg16[%parallel_loop3A_248] {strides = array<i32>} : memref<512xf32, #tpu.memory_space<vmem>>, vector<16xf32>,
          %parallel_loop3A_250 = arith.mulf %parallel_loop3A_201, %parallel_loop3A_239 : vector<16xf32>
          %parallel_loop3A_251 = arith.mulf %parallel_loop3A_203, %parallel_loop3A_245 : vector<16xf32>
          %parallel_loop3A_252 = arith.addf %parallel_loop3A_250, %parallel_loop3A_251 : vector<16xf32>
          %parallel_loop3A_253 = arith.addf %parallel_loop3A_249, %parallel_loop3A_252 : vector<16xf32>
          %parallel_loop3A_254 = arith.index_cast %parallel_loop3A_188 : i32 to index
          %parallel_loop3A_255 = arith.index_cast %parallel_loop3A_235 : i32 to index
          %parallel_loop3A_256 = tpu.vector_load %arg10[%parallel_loop3A_254, %parallel_loop3A_255] {strides = array<i32>} : memref<16x1024xf32, #tpu.memory_space<vmem>>, vector<16xf32>,
          tpu.vector_store %arg10[%parallel_loop3A_254, %parallel_loop3A_255], %parallel_loop3A_253 {add = true, strides = array<i32>} : memref<16x1024xf32, #tpu.memory_space<vmem>>, vector<16xf32>,
          %parallel_loop3A_257 = arith.constant 1 : i32
          %parallel_loop3A_258 = arith.addi %parallel_loop3A_188, %parallel_loop3A_257 : i32
          %parallel_loop3A_259 = arith.mulf %parallel_loop3A_207, %parallel_loop3A_239 : vector<16xf32>
          %parallel_loop3A_260 = arith.mulf %parallel_loop3A_209, %parallel_loop3A_245 : vector<16xf32>
          %parallel_loop3A_261 = arith.addf %parallel_loop3A_259, %parallel_loop3A_260 : vector<16xf32>
          %parallel_loop3A_262 = arith.addf %parallel_loop3A_249, %parallel_loop3A_261 : vector<16xf32>
          %parallel_loop3A_263 = arith.index_cast %parallel_loop3A_258 : i32 to index
          %parallel_loop3A_264 = arith.index_cast %parallel_loop3A_235 : i32 to index
          %parallel_loop3A_265 = tpu.vector_load %arg10[%parallel_loop3A_263, %parallel_loop3A_264] {strides = array<i32>} : memref<16x1024xf32, #tpu.memory_space<vmem>>, vector<16xf32>,
          tpu.vector_store %arg10[%parallel_loop3A_263, %parallel_loop3A_264], %parallel_loop3A_262 {add = true, strides = array<i32>} : memref<16x1024xf32, #tpu.memory_space<vmem>>, vector<16xf32>,
        } {sc.loop_unroll_factor = 4 : i64, sc.parallel_access}
        %parallel_loop3A_228 = arith.constant 0 : i32
        %parallel_loop3A_229 = arith.constant 16 : i32
        %parallel_loop3A_230 = arith.constant 1 : i32
        scf.for %parallel_loop3A_231 = %parallel_loop3A_228 to %parallel_loop3A_229 step %parallel_loop3A_230  : i32 {
          %parallel_loop3A_232 = arith.constant 16 : i32
          %parallel_loop3A_233 = arith.muli %parallel_loop3A_231, %parallel_loop3A_232 : i32
          %parallel_loop3A_234 = arith.constant 768 : i32
          %parallel_loop3A_235 = arith.addi %parallel_loop3A_234, %parallel_loop3A_233 : i32
          %parallel_loop3A_236 = arith.constant 16 : i32
          %parallel_loop3A_237 = arith.muli %parallel_loop3A_231, %parallel_loop3A_236 : i32
          %parallel_loop3A_238 = arith.constant 512 : i32
          %parallel_loop3A_239 = arith.addi %parallel_loop3A_238, %parallel_loop3A_237 : i32
          %parallel_loop3A_240 = arith.index_cast %parallel_loop3A_239 : i32 to index
          %parallel_loop3A_241 = tpu.vector_load %arg15[%parallel_loop3A_240] {strides = array<i32>} : memref<768xf32, #tpu.memory_space<vmem>>, vector<16xf32>,
          %parallel_loop3A_242 = arith.constant 16 : i32
          %parallel_loop3A_243 = arith.muli %parallel_loop3A_231, %parallel_loop3A_242 : i32
          %parallel_loop3A_244 = arith.constant 256 : i32
          %parallel_loop3A_245 = arith.addi %parallel_loop3A_244, %parallel_loop3A_243 : i32
          %parallel_loop3A_246 = arith.index_cast %parallel_loop3A_245 : i32 to index
          %parallel_loop3A_247 = tpu.vector_load %arg16[%parallel_loop3A_246] {strides = array<i32>} : memref<512xf32, #tpu.memory_space<vmem>>, vector<16xf32>,
          %parallel_loop3A_248 = arith.mulf %parallel_loop3A_205, %parallel_loop3A_241 : vector<16xf32>
          %parallel_loop3A_249 = arith.addf %parallel_loop3A_247, %parallel_loop3A_248 : vector<16xf32>
          %parallel_loop3A_250 = arith.index_cast %parallel_loop3A_188 : i32 to index
          %parallel_loop3A_251 = arith.index_cast %parallel_loop3A_235 : i32 to index
          %parallel_loop3A_252 = tpu.vector_load %arg10[%parallel_loop3A_250, %parallel_loop3A_251] {strides = array<i32>} : memref<16x1024xf32, #tpu.memory_space<vmem>>, vector<16xf32>,
          tpu.vector_store %arg10[%parallel_loop3A_250, %parallel_loop3A_251], %parallel_loop3A_249 {add = true, strides = array<i32>} : memref<16x1024xf32, #tpu.memory_space<vmem>>, vector<16xf32>,
          %parallel_loop3A_253 = arith.constant 1 : i32
          %parallel_loop3A_254 = arith.addi %parallel_loop3A_188, %parallel_loop3A_253 : i32
          %parallel_loop3A_255 = arith.mulf %parallel_loop3A_211, %parallel_loop3A_241 : vector<16xf32>
          %parallel_loop3A_256 = arith.addf %parallel_loop3A_247, %parallel_loop3A_255 : vector<16xf32>
          %parallel_loop3A_257 = arith.index_cast %parallel_loop3A_254 : i32 to index
          %parallel_loop3A_258 = arith.index_cast %parallel_loop3A_235 : i32 to index
          %parallel_loop3A_259 = tpu.vector_load %arg10[%parallel_loop3A_257, %parallel_loop3A_258] {strides = array<i32>} : memref<16x1024xf32, #tpu.memory_space<vmem>>, vector<16xf32>,
          tpu.vector_store %arg10[%parallel_loop3A_257, %parallel_loop3A_258], %parallel_loop3A_256 {add = true, strides = array<i32>} : memref<16x1024xf32, #tpu.memory_space<vmem>>, vector<16xf32>,
        } {sc.loop_unroll_factor = 4 : i64, sc.parallel_access}
      } {sc.loop_unroll_factor = 1 : i64, sc.parallel_access}
      %mul3A_71 = arith.constant 16 : i32
      %mul3A_72 = arith.muli %add3A_61, %mul3A_71 : i32
      %add3A_73 = arith.addi %mul3A_2, %mul3A_72 : i32
      %dma_start3A_74 = arith.constant 0 : i32
      %dma_start3A_75 = tpu.memref_slice %arg9[%add3A_73, %dma_start3A_74] : memref<8192x1024xf32, #tpu.memory_space<hbm>> -> memref<16x1024xf32, #tpu.memory_space<hbm>>
      %dma_start3A_76 = arith.constant 0 : i32
      %dma_start3A_77 = tpu.memref_slice %arg9[%add3A_73, %dma_start3A_76] : memref<8192x1024xf32, #tpu.memory_space<hbm>> -> memref<16x1024xf32, #tpu.memory_space<hbm>>
      tpu.enqueue_dma source(%arg10 : memref<16x1024xf32, #tpu.memory_space<vmem>>) target(%dma_start3A_77 : memref<16x1024xf32, #tpu.memory_space<hbm>>) target_semaphore(%arg23 : memref<!tpu.dma_semaphore, #tpu.memory_space<semaphore_mem>>)
      %ge3A = arith.constant 1 : i32
      %ge3A_78 = arith.cmpi sge, %add3A_61, %ge3A : i32
      %le3A = arith.constant 12 : i32
      %le3A_79 = arith.cmpi sle, %add3A_61, %le3A : i32
      %and3A = arith.andi %ge3A_78, %le3A_79 : i1
      %convert_element_type3A = arith.extui %and3A : i1 to i32
      %cond3A = arith.constant 0 : i32
      %cond3A_80 = arith.cmpi ne, %convert_element_type3A, %cond3A : i32
      scf.if %cond3A_80 {
        %sub3A = arith.constant 1 : i32
        %sub3A_188 = arith.subi %add3A_61, %sub3A : i32
        %mul3A_189 = arith.constant 16 : i32
        %mul3A_190 = arith.muli %sub3A_188, %mul3A_189 : i32
        %add3A_191 = arith.addi %mul3A_2, %mul3A_190 : i32
        %dma_wait3A_192 = arith.constant 0 : i32
        %dma_wait3A_193 = tpu.memref_slice %arg9[%add3A_191, %dma_wait3A_192] : memref<8192x1024xf32, #tpu.memory_space<hbm>> -> memref<16x1024xf32, #tpu.memory_space<hbm>>
        %dma_wait3A_194 = arith.constant 0 : i32
        %dma_wait3A_195 = tpu.memref_slice %arg9[%add3A_191, %dma_wait3A_194] : memref<8192x1024xf32, #tpu.memory_space<hbm>> -> memref<16x1024xf32, #tpu.memory_space<hbm>>
        tpu.wait_dma2 semaphore(%arg26 : memref<!tpu.dma_semaphore, #tpu.memory_space<semaphore_mem>>) src(%arg13 : memref<16x1024xf32, #tpu.memory_space<vmem>>) dst(%dma_wait3A_195 : memref<16x1024xf32, #tpu.memory_space<hbm>>)
      } else {
      }
      %le3A_81 = arith.constant 12 : i32
      %le3A_82 = arith.cmpi sle, %add3A_61, %le3A_81 : i32
      %convert_element_type3A_83 = arith.extui %le3A_82 : i1 to i32
      %cond3A_84 = arith.constant 0 : i32
      %cond3A_85 = arith.cmpi ne, %convert_element_type3A_83, %cond3A_84 : i32
      scf.if %cond3A_85 {
        %add3A_188 = arith.constant 4 : i32
        %add3A_189 = arith.addi %add3A_61, %add3A_188 : i32
        %sub3A = arith.constant 1 : i32
        %sub3A_190 = arith.subi %add3A_189, %sub3A : i32
        %mul3A_191 = arith.constant 16 : i32
        %mul3A_192 = arith.muli %sub3A_190, %mul3A_191 : i32
        %add3A_193 = arith.addi %mul3A_2, %mul3A_192 : i32
        %dma_start3A_194 = arith.constant 0 : i32
        %dma_start3A_195 = tpu.memref_slice %arg8[%add3A_193, %dma_start3A_194] : memref<8192x1024xf32, #tpu.memory_space<hbm>> -> memref<16x1024xf32, #tpu.memory_space<hbm>>
        %dma_start3A_196 = arith.constant 0 : i32
        %dma_start3A_197 = tpu.memref_slice %arg8[%add3A_193, %dma_start3A_196] : memref<8192x1024xf32, #tpu.memory_space<hbm>> -> memref<16x1024xf32, #tpu.memory_space<hbm>>
        tpu.enqueue_dma source(%dma_start3A_197 : memref<16x1024xf32, #tpu.memory_space<hbm>>) target(%arg13 : memref<16x1024xf32, #tpu.memory_space<vmem>>) target_semaphore(%arg22 : memref<!tpu.dma_semaphore, #tpu.memory_space<semaphore_mem>>)
      } else {
      }
      %mul3A_86 = arith.constant 4 : i32
      %mul3A_87 = arith.muli %scan3A_57, %mul3A_86 : i32
      %add3A_88 = arith.constant 1 : i32
      %add3A_89 = arith.addi %mul3A_87, %add3A_88 : i32
      %mul3A_90 = arith.constant 16 : i32
      %mul3A_91 = arith.muli %add3A_89, %mul3A_90 : i32
      %add3A_92 = arith.addi %mul3A_2, %mul3A_91 : i32
      %dma_wait3A_93 = arith.constant 0 : i32
      %dma_wait3A_94 = tpu.memref_slice %arg8[%add3A_92, %dma_wait3A_93] : memref<8192x1024xf32, #tpu.memory_space<hbm>> -> memref<16x1024xf32, #tpu.memory_space<hbm>>
      %dma_wait3A_95 = arith.constant 0 : i32
      %dma_wait3A_96 = tpu.memref_slice %arg8[%add3A_92, %dma_wait3A_95] : memref<8192x1024xf32, #tpu.memory_space<hbm>> -> memref<16x1024xf32, #tpu.memory_space<hbm>>
      tpu.wait_dma2 semaphore(%arg20 : memref<!tpu.dma_semaphore, #tpu.memory_space<semaphore_mem>>) src(%dma_wait3A_96 : memref<16x1024xf32, #tpu.memory_space<hbm>>) dst(%arg11 : memref<16x1024xf32, #tpu.memory_space<vmem>>)
      %parallel_loop3A_97 = arith.constant 0 : i32
      %parallel_loop3A_98 = arith.constant 16 : i32
      %parallel_loop3A_99 = arith.constant 2 : i32
      scf.for %parallel_loop3A_188 = %parallel_loop3A_97 to %parallel_loop3A_98 step %parallel_loop3A_99  : i32 {
        %parallel_loop3A_189 = arith.constant 16 : i32
        %parallel_loop3A_190 = arith.muli %add3A_89, %parallel_loop3A_189 : i32
        %parallel_loop3A_191 = arith.addi %parallel_loop3A_190, %parallel_loop3A_188 : i32
        %parallel_loop3A_192 = arith.constant 4 : i32
        %parallel_loop3A_193 = arith.muli %parallel_loop3A_191, %parallel_loop3A_192 : i32
        %parallel_loop3A_194 = vector.broadcast %parallel_loop3A_193 : i32 to vector<16xi32>
        %parallel_loop3A_195 = arith.constant 1 : i32
        %parallel_loop3A_196 = arith.addi %parallel_loop3A_191, %parallel_loop3A_195 : i32
        %parallel_loop3A_197 = arith.constant 4 : i32
        %parallel_loop3A_198 = arith.muli %parallel_loop3A_196, %parallel_loop3A_197 : i32
        %parallel_loop3A_199 = vector.broadcast %parallel_loop3A_198 : i32 to vector<16xi32>
        %parallel_loop3A_200 = arith.addi %parallel_loop3A_194, %broadcast_in_dim3A_7 : vector<16xi32>
        %parallel_loop3A_201 = tpu.vector_load_idx %arg17[%parallel_loop3A_200] : memref<1024xf32, #tpu.memory_space<vmem>>[vector<16xi32>], vector<16xf32>,
        %parallel_loop3A_202 = arith.addi %parallel_loop3A_194, %broadcast_in_dim3A_9 : vector<16xi32>
        %parallel_loop3A_203 = tpu.vector_load_idx %arg17[%parallel_loop3A_202] : memref<1024xf32, #tpu.memory_space<vmem>>[vector<16xi32>], vector<16xf32>,
        %parallel_loop3A_204 = arith.addi %parallel_loop3A_194, %broadcast_in_dim3A_11 : vector<16xi32>
        %parallel_loop3A_205 = tpu.vector_load_idx %arg17[%parallel_loop3A_204] : memref<1024xf32, #tpu.memory_space<vmem>>[vector<16xi32>], vector<16xf32>,
        %parallel_loop3A_206 = arith.addi %parallel_loop3A_199, %broadcast_in_dim3A_7 : vector<16xi32>
        %parallel_loop3A_207 = tpu.vector_load_idx %arg17[%parallel_loop3A_206] : memref<1024xf32, #tpu.memory_space<vmem>>[vector<16xi32>], vector<16xf32>,
        %parallel_loop3A_208 = arith.addi %parallel_loop3A_199, %broadcast_in_dim3A_9 : vector<16xi32>
        %parallel_loop3A_209 = tpu.vector_load_idx %arg17[%parallel_loop3A_208] : memref<1024xf32, #tpu.memory_space<vmem>>[vector<16xi32>], vector<16xf32>,
        %parallel_loop3A_210 = arith.addi %parallel_loop3A_199, %broadcast_in_dim3A_11 : vector<16xi32>
        %parallel_loop3A_211 = tpu.vector_load_idx %arg17[%parallel_loop3A_210] : memref<1024xf32, #tpu.memory_space<vmem>>[vector<16xi32>], vector<16xf32>,
        %parallel_loop3A_212 = arith.index_cast %parallel_loop3A_191 : i32 to index
        %parallel_loop3A_213 = tpu.vector_load %arg18[%parallel_loop3A_212] {strides = array<i32>} : memref<272xi32, #tpu.memory_space<vmem>>, vector<16xi32>,
        %parallel_loop3A_214 = vector.extract_strided_slice %parallel_loop3A_213 {offsets = [0], sizes = [1], strides = [1]} : vector<16xi32> to vector<1xi32>
        %parallel_loop3A_215 = vector.extract %parallel_loop3A_214[0] : i32 from vector<1xi32>
        %parallel_loop3A_216 = arith.constant 1 : i32
        %parallel_loop3A_217 = arith.addi %parallel_loop3A_191, %parallel_loop3A_216 : i32
        %parallel_loop3A_218 = arith.index_cast %parallel_loop3A_217 : i32 to index
        %parallel_loop3A_219 = tpu.vector_load %arg18[%parallel_loop3A_218] {strides = array<i32>} : memref<272xi32, #tpu.memory_space<vmem>>, vector<16xi32>,
        %parallel_loop3A_220 = vector.extract_strided_slice %parallel_loop3A_219 {offsets = [0], sizes = [1], strides = [1]} : vector<16xi32> to vector<1xi32>
        %parallel_loop3A_221 = vector.extract %parallel_loop3A_220[0] : i32 from vector<1xi32>
        %parallel_loop3A_222 = arith.constant 0 : i32
        %parallel_loop3A_223 = arith.constant 32 : i32
        %parallel_loop3A_224 = arith.constant 1 : i32
        scf.for %parallel_loop3A_231 = %parallel_loop3A_222 to %parallel_loop3A_223 step %parallel_loop3A_224  : i32 {
          %parallel_loop3A_232 = arith.constant 16 : i32
          %parallel_loop3A_233 = arith.muli %parallel_loop3A_231, %parallel_loop3A_232 : i32
          %parallel_loop3A_234 = arith.index_cast %parallel_loop3A_215 : i32 to index
          %parallel_loop3A_235 = arith.index_cast %parallel_loop3A_233 : i32 to index
          %parallel_loop3A_236 = tpu.vector_load %arg14[%parallel_loop3A_234, %parallel_loop3A_235] {strides = array<i32>} : memref<20x512xf32, #tpu.memory_space<vmem>>, vector<16xf32>,
          %parallel_loop3A_237 = arith.index_cast %parallel_loop3A_188 : i32 to index
          %parallel_loop3A_238 = arith.index_cast %parallel_loop3A_233 : i32 to index
          %parallel_loop3A_239 = tpu.vector_load %arg11[%parallel_loop3A_237, %parallel_loop3A_238] {strides = array<i32>} : memref<16x1024xf32, #tpu.memory_space<vmem>>, vector<16xf32>,
          tpu.vector_store %arg11[%parallel_loop3A_237, %parallel_loop3A_238], %parallel_loop3A_236 {add = true, strides = array<i32>} : memref<16x1024xf32, #tpu.memory_space<vmem>>, vector<16xf32>,
          %parallel_loop3A_240 = arith.constant 1 : i32
          %parallel_loop3A_241 = arith.addi %parallel_loop3A_188, %parallel_loop3A_240 : i32
          %parallel_loop3A_242 = arith.index_cast %parallel_loop3A_221 : i32 to index
          %parallel_loop3A_243 = arith.index_cast %parallel_loop3A_233 : i32 to index
          %parallel_loop3A_244 = tpu.vector_load %arg14[%parallel_loop3A_242, %parallel_loop3A_243] {strides = array<i32>} : memref<20x512xf32, #tpu.memory_space<vmem>>, vector<16xf32>,
          %parallel_loop3A_245 = arith.index_cast %parallel_loop3A_241 : i32 to index
          %parallel_loop3A_246 = arith.index_cast %parallel_loop3A_233 : i32 to index
          %parallel_loop3A_247 = tpu.vector_load %arg11[%parallel_loop3A_245, %parallel_loop3A_246] {strides = array<i32>} : memref<16x1024xf32, #tpu.memory_space<vmem>>, vector<16xf32>,
          tpu.vector_store %arg11[%parallel_loop3A_245, %parallel_loop3A_246], %parallel_loop3A_244 {add = true, strides = array<i32>} : memref<16x1024xf32, #tpu.memory_space<vmem>>, vector<16xf32>,
        } {sc.loop_unroll_factor = 4 : i64, sc.parallel_access}
        %parallel_loop3A_225 = arith.constant 0 : i32
        %parallel_loop3A_226 = arith.constant 16 : i32
        %parallel_loop3A_227 = arith.constant 1 : i32
        scf.for %parallel_loop3A_231 = %parallel_loop3A_225 to %parallel_loop3A_226 step %parallel_loop3A_227  : i32 {
          %parallel_loop3A_232 = arith.constant 16 : i32
          %parallel_loop3A_233 = arith.muli %parallel_loop3A_231, %parallel_loop3A_232 : i32
          %parallel_loop3A_234 = arith.constant 512 : i32
          %parallel_loop3A_235 = arith.addi %parallel_loop3A_234, %parallel_loop3A_233 : i32
          %parallel_loop3A_236 = arith.constant 16 : i32
          %parallel_loop3A_237 = arith.muli %parallel_loop3A_231, %parallel_loop3A_236 : i32
          %parallel_loop3A_238 = arith.index_cast %parallel_loop3A_237 : i32 to index
          %parallel_loop3A_239 = tpu.vector_load %arg15[%parallel_loop3A_238] {strides = array<i32>} : memref<768xf32, #tpu.memory_space<vmem>>, vector<16xf32>,
          %parallel_loop3A_240 = arith.constant 16 : i32
          %parallel_loop3A_241 = arith.muli %parallel_loop3A_231, %parallel_loop3A_240 : i32
          %parallel_loop3A_242 = arith.constant 256 : i32
          %parallel_loop3A_243 = arith.addi %parallel_loop3A_242, %parallel_loop3A_241 : i32
          %parallel_loop3A_244 = arith.index_cast %parallel_loop3A_243 : i32 to index
          %parallel_loop3A_245 = tpu.vector_load %arg15[%parallel_loop3A_244] {strides = array<i32>} : memref<768xf32, #tpu.memory_space<vmem>>, vector<16xf32>,
          %parallel_loop3A_246 = arith.constant 16 : i32
          %parallel_loop3A_247 = arith.muli %parallel_loop3A_231, %parallel_loop3A_246 : i32
          %parallel_loop3A_248 = arith.index_cast %parallel_loop3A_247 : i32 to index
          %parallel_loop3A_249 = tpu.vector_load %arg16[%parallel_loop3A_248] {strides = array<i32>} : memref<512xf32, #tpu.memory_space<vmem>>, vector<16xf32>,
          %parallel_loop3A_250 = arith.mulf %parallel_loop3A_201, %parallel_loop3A_239 : vector<16xf32>
          %parallel_loop3A_251 = arith.mulf %parallel_loop3A_203, %parallel_loop3A_245 : vector<16xf32>
          %parallel_loop3A_252 = arith.addf %parallel_loop3A_250, %parallel_loop3A_251 : vector<16xf32>
          %parallel_loop3A_253 = arith.addf %parallel_loop3A_249, %parallel_loop3A_252 : vector<16xf32>
          %parallel_loop3A_254 = arith.index_cast %parallel_loop3A_188 : i32 to index
          %parallel_loop3A_255 = arith.index_cast %parallel_loop3A_235 : i32 to index
          %parallel_loop3A_256 = tpu.vector_load %arg11[%parallel_loop3A_254, %parallel_loop3A_255] {strides = array<i32>} : memref<16x1024xf32, #tpu.memory_space<vmem>>, vector<16xf32>,
          tpu.vector_store %arg11[%parallel_loop3A_254, %parallel_loop3A_255], %parallel_loop3A_253 {add = true, strides = array<i32>} : memref<16x1024xf32, #tpu.memory_space<vmem>>, vector<16xf32>,
          %parallel_loop3A_257 = arith.constant 1 : i32
          %parallel_loop3A_258 = arith.addi %parallel_loop3A_188, %parallel_loop3A_257 : i32
          %parallel_loop3A_259 = arith.mulf %parallel_loop3A_207, %parallel_loop3A_239 : vector<16xf32>
          %parallel_loop3A_260 = arith.mulf %parallel_loop3A_209, %parallel_loop3A_245 : vector<16xf32>
          %parallel_loop3A_261 = arith.addf %parallel_loop3A_259, %parallel_loop3A_260 : vector<16xf32>
          %parallel_loop3A_262 = arith.addf %parallel_loop3A_249, %parallel_loop3A_261 : vector<16xf32>
          %parallel_loop3A_263 = arith.index_cast %parallel_loop3A_258 : i32 to index
          %parallel_loop3A_264 = arith.index_cast %parallel_loop3A_235 : i32 to index
          %parallel_loop3A_265 = tpu.vector_load %arg11[%parallel_loop3A_263, %parallel_loop3A_264] {strides = array<i32>} : memref<16x1024xf32, #tpu.memory_space<vmem>>, vector<16xf32>,
          tpu.vector_store %arg11[%parallel_loop3A_263, %parallel_loop3A_264], %parallel_loop3A_262 {add = true, strides = array<i32>} : memref<16x1024xf32, #tpu.memory_space<vmem>>, vector<16xf32>,
        } {sc.loop_unroll_factor = 4 : i64, sc.parallel_access}
        %parallel_loop3A_228 = arith.constant 0 : i32
        %parallel_loop3A_229 = arith.constant 16 : i32
        %parallel_loop3A_230 = arith.constant 1 : i32
        scf.for %parallel_loop3A_231 = %parallel_loop3A_228 to %parallel_loop3A_229 step %parallel_loop3A_230  : i32 {
          %parallel_loop3A_232 = arith.constant 16 : i32
          %parallel_loop3A_233 = arith.muli %parallel_loop3A_231, %parallel_loop3A_232 : i32
          %parallel_loop3A_234 = arith.constant 768 : i32
          %parallel_loop3A_235 = arith.addi %parallel_loop3A_234, %parallel_loop3A_233 : i32
          %parallel_loop3A_236 = arith.constant 16 : i32
          %parallel_loop3A_237 = arith.muli %parallel_loop3A_231, %parallel_loop3A_236 : i32
          %parallel_loop3A_238 = arith.constant 512 : i32
          %parallel_loop3A_239 = arith.addi %parallel_loop3A_238, %parallel_loop3A_237 : i32
          %parallel_loop3A_240 = arith.index_cast %parallel_loop3A_239 : i32 to index
          %parallel_loop3A_241 = tpu.vector_load %arg15[%parallel_loop3A_240] {strides = array<i32>} : memref<768xf32, #tpu.memory_space<vmem>>, vector<16xf32>,
          %parallel_loop3A_242 = arith.constant 16 : i32
          %parallel_loop3A_243 = arith.muli %parallel_loop3A_231, %parallel_loop3A_242 : i32
          %parallel_loop3A_244 = arith.constant 256 : i32
          %parallel_loop3A_245 = arith.addi %parallel_loop3A_244, %parallel_loop3A_243 : i32
          %parallel_loop3A_246 = arith.index_cast %parallel_loop3A_245 : i32 to index
          %parallel_loop3A_247 = tpu.vector_load %arg16[%parallel_loop3A_246] {strides = array<i32>} : memref<512xf32, #tpu.memory_space<vmem>>, vector<16xf32>,
          %parallel_loop3A_248 = arith.mulf %parallel_loop3A_205, %parallel_loop3A_241 : vector<16xf32>
          %parallel_loop3A_249 = arith.addf %parallel_loop3A_247, %parallel_loop3A_248 : vector<16xf32>
          %parallel_loop3A_250 = arith.index_cast %parallel_loop3A_188 : i32 to index
          %parallel_loop3A_251 = arith.index_cast %parallel_loop3A_235 : i32 to index
          %parallel_loop3A_252 = tpu.vector_load %arg11[%parallel_loop3A_250, %parallel_loop3A_251] {strides = array<i32>} : memref<16x1024xf32, #tpu.memory_space<vmem>>, vector<16xf32>,
          tpu.vector_store %arg11[%parallel_loop3A_250, %parallel_loop3A_251], %parallel_loop3A_249 {add = true, strides = array<i32>} : memref<16x1024xf32, #tpu.memory_space<vmem>>, vector<16xf32>,
          %parallel_loop3A_253 = arith.constant 1 : i32
          %parallel_loop3A_254 = arith.addi %parallel_loop3A_188, %parallel_loop3A_253 : i32
          %parallel_loop3A_255 = arith.mulf %parallel_loop3A_211, %parallel_loop3A_241 : vector<16xf32>
          %parallel_loop3A_256 = arith.addf %parallel_loop3A_247, %parallel_loop3A_255 : vector<16xf32>
          %parallel_loop3A_257 = arith.index_cast %parallel_loop3A_254 : i32 to index
          %parallel_loop3A_258 = arith.index_cast %parallel_loop3A_235 : i32 to index
          %parallel_loop3A_259 = tpu.vector_load %arg11[%parallel_loop3A_257, %parallel_loop3A_258] {strides = array<i32>} : memref<16x1024xf32, #tpu.memory_space<vmem>>, vector<16xf32>,
          tpu.vector_store %arg11[%parallel_loop3A_257, %parallel_loop3A_258], %parallel_loop3A_256 {add = true, strides = array<i32>} : memref<16x1024xf32, #tpu.memory_space<vmem>>, vector<16xf32>,
        } {sc.loop_unroll_factor = 4 : i64, sc.parallel_access}
      } {sc.loop_unroll_factor = 1 : i64, sc.parallel_access}
      %mul3A_100 = arith.constant 16 : i32
      %mul3A_101 = arith.muli %add3A_89, %mul3A_100 : i32
      %add3A_102 = arith.addi %mul3A_2, %mul3A_101 : i32
      %dma_start3A_103 = arith.constant 0 : i32
      %dma_start3A_104 = tpu.memref_slice %arg9[%add3A_102, %dma_start3A_103] : memref<8192x1024xf32, #tpu.memory_space<hbm>> -> memref<16x1024xf32, #tpu.memory_space<hbm>>
      %dma_start3A_105 = arith.constant 0 : i32
      %dma_start3A_106 = tpu.memref_slice %arg9[%add3A_102, %dma_start3A_105] : memref<8192x1024xf32, #tpu.memory_space<hbm>> -> memref<16x1024xf32, #tpu.memory_space<hbm>>
      tpu.enqueue_dma source(%arg11 : memref<16x1024xf32, #tpu.memory_space<vmem>>) target(%dma_start3A_106 : memref<16x1024xf32, #tpu.memory_space<hbm>>) target_semaphore(%arg24 : memref<!tpu.dma_semaphore, #tpu.memory_space<semaphore_mem>>)
      %ge3A_107 = arith.constant 1 : i32
      %ge3A_108 = arith.cmpi sge, %add3A_89, %ge3A_107 : i32
      %le3A_109 = arith.constant 12 : i32
      %le3A_110 = arith.cmpi sle, %add3A_89, %le3A_109 : i32
      %and3A_111 = arith.andi %ge3A_108, %le3A_110 : i1
      %convert_element_type3A_112 = arith.extui %and3A_111 : i1 to i32
      %cond3A_113 = arith.constant 0 : i32
      %cond3A_114 = arith.cmpi ne, %convert_element_type3A_112, %cond3A_113 : i32
      scf.if %cond3A_114 {
        %sub3A = arith.constant 1 : i32
        %sub3A_188 = arith.subi %add3A_89, %sub3A : i32
        %mul3A_189 = arith.constant 16 : i32
        %mul3A_190 = arith.muli %sub3A_188, %mul3A_189 : i32
        %add3A_191 = arith.addi %mul3A_2, %mul3A_190 : i32
        %dma_wait3A_192 = arith.constant 0 : i32
        %dma_wait3A_193 = tpu.memref_slice %arg9[%add3A_191, %dma_wait3A_192] : memref<8192x1024xf32, #tpu.memory_space<hbm>> -> memref<16x1024xf32, #tpu.memory_space<hbm>>
        %dma_wait3A_194 = arith.constant 0 : i32
        %dma_wait3A_195 = tpu.memref_slice %arg9[%add3A_191, %dma_wait3A_194] : memref<8192x1024xf32, #tpu.memory_space<hbm>> -> memref<16x1024xf32, #tpu.memory_space<hbm>>
        tpu.wait_dma2 semaphore(%arg23 : memref<!tpu.dma_semaphore, #tpu.memory_space<semaphore_mem>>) src(%arg10 : memref<16x1024xf32, #tpu.memory_space<vmem>>) dst(%dma_wait3A_195 : memref<16x1024xf32, #tpu.memory_space<hbm>>)
      } else {
      }
      %le3A_115 = arith.constant 12 : i32
      %le3A_116 = arith.cmpi sle, %add3A_89, %le3A_115 : i32
      %convert_element_type3A_117 = arith.extui %le3A_116 : i1 to i32
      %cond3A_118 = arith.constant 0 : i32
      %cond3A_119 = arith.cmpi ne, %convert_element_type3A_117, %cond3A_118 : i32
      scf.if %cond3A_119 {
        %add3A_188 = arith.constant 4 : i32
        %add3A_189 = arith.addi %add3A_89, %add3A_188 : i32
        %sub3A = arith.constant 1 : i32
        %sub3A_190 = arith.subi %add3A_189, %sub3A : i32
        %mul3A_191 = arith.constant 16 : i32
        %mul3A_192 = arith.muli %sub3A_190, %mul3A_191 : i32
        %add3A_193 = arith.addi %mul3A_2, %mul3A_192 : i32
        %dma_start3A_194 = arith.constant 0 : i32
        %dma_start3A_195 = tpu.memref_slice %arg8[%add3A_193, %dma_start3A_194] : memref<8192x1024xf32, #tpu.memory_space<hbm>> -> memref<16x1024xf32, #tpu.memory_space<hbm>>
        %dma_start3A_196 = arith.constant 0 : i32
        %dma_start3A_197 = tpu.memref_slice %arg8[%add3A_193, %dma_start3A_196] : memref<8192x1024xf32, #tpu.memory_space<hbm>> -> memref<16x1024xf32, #tpu.memory_space<hbm>>
        tpu.enqueue_dma source(%dma_start3A_197 : memref<16x1024xf32, #tpu.memory_space<hbm>>) target(%arg10 : memref<16x1024xf32, #tpu.memory_space<vmem>>) target_semaphore(%arg19 : memref<!tpu.dma_semaphore, #tpu.memory_space<semaphore_mem>>)
      } else {
      }
      %mul3A_120 = arith.constant 4 : i32
      %mul3A_121 = arith.muli %scan3A_57, %mul3A_120 : i32
      %add3A_122 = arith.constant 2 : i32
      %add3A_123 = arith.addi %mul3A_121, %add3A_122 : i32
      %mul3A_124 = arith.constant 16 : i32
      %mul3A_125 = arith.muli %add3A_123, %mul3A_124 : i32
      %add3A_126 = arith.addi %mul3A_2, %mul3A_125 : i32
      %dma_wait3A_127 = arith.constant 0 : i32
      %dma_wait3A_128 = tpu.memref_slice %arg8[%add3A_126, %dma_wait3A_127] : memref<8192x1024xf32, #tpu.memory_space<hbm>> -> memref<16x1024xf32, #tpu.memory_space<hbm>>
      %dma_wait3A_129 = arith.constant 0 : i32
      %dma_wait3A_130 = tpu.memref_slice %arg8[%add3A_126, %dma_wait3A_129] : memref<8192x1024xf32, #tpu.memory_space<hbm>> -> memref<16x1024xf32, #tpu.memory_space<hbm>>
      tpu.wait_dma2 semaphore(%arg21 : memref<!tpu.dma_semaphore, #tpu.memory_space<semaphore_mem>>) src(%dma_wait3A_130 : memref<16x1024xf32, #tpu.memory_space<hbm>>) dst(%arg12 : memref<16x1024xf32, #tpu.memory_space<vmem>>)
      %parallel_loop3A_131 = arith.constant 0 : i32
      %parallel_loop3A_132 = arith.constant 16 : i32
      %parallel_loop3A_133 = arith.constant 2 : i32
      scf.for %parallel_loop3A_188 = %parallel_loop3A_131 to %parallel_loop3A_132 step %parallel_loop3A_133  : i32 {
        %parallel_loop3A_189 = arith.constant 16 : i32
        %parallel_loop3A_190 = arith.muli %add3A_123, %parallel_loop3A_189 : i32
        %parallel_loop3A_191 = arith.addi %parallel_loop3A_190, %parallel_loop3A_188 : i32
        %parallel_loop3A_192 = arith.constant 4 : i32
        %parallel_loop3A_193 = arith.muli %parallel_loop3A_191, %parallel_loop3A_192 : i32
        %parallel_loop3A_194 = vector.broadcast %parallel_loop3A_193 : i32 to vector<16xi32>
        %parallel_loop3A_195 = arith.constant 1 : i32
        %parallel_loop3A_196 = arith.addi %parallel_loop3A_191, %parallel_loop3A_195 : i32
        %parallel_loop3A_197 = arith.constant 4 : i32
        %parallel_loop3A_198 = arith.muli %parallel_loop3A_196, %parallel_loop3A_197 : i32
        %parallel_loop3A_199 = vector.broadcast %parallel_loop3A_198 : i32 to vector<16xi32>
        %parallel_loop3A_200 = arith.addi %parallel_loop3A_194, %broadcast_in_dim3A_7 : vector<16xi32>
        %parallel_loop3A_201 = tpu.vector_load_idx %arg17[%parallel_loop3A_200] : memref<1024xf32, #tpu.memory_space<vmem>>[vector<16xi32>], vector<16xf32>,
        %parallel_loop3A_202 = arith.addi %parallel_loop3A_194, %broadcast_in_dim3A_9 : vector<16xi32>
        %parallel_loop3A_203 = tpu.vector_load_idx %arg17[%parallel_loop3A_202] : memref<1024xf32, #tpu.memory_space<vmem>>[vector<16xi32>], vector<16xf32>,
        %parallel_loop3A_204 = arith.addi %parallel_loop3A_194, %broadcast_in_dim3A_11 : vector<16xi32>
        %parallel_loop3A_205 = tpu.vector_load_idx %arg17[%parallel_loop3A_204] : memref<1024xf32, #tpu.memory_space<vmem>>[vector<16xi32>], vector<16xf32>,
        %parallel_loop3A_206 = arith.addi %parallel_loop3A_199, %broadcast_in_dim3A_7 : vector<16xi32>
        %parallel_loop3A_207 = tpu.vector_load_idx %arg17[%parallel_loop3A_206] : memref<1024xf32, #tpu.memory_space<vmem>>[vector<16xi32>], vector<16xf32>,
        %parallel_loop3A_208 = arith.addi %parallel_loop3A_199, %broadcast_in_dim3A_9 : vector<16xi32>
        %parallel_loop3A_209 = tpu.vector_load_idx %arg17[%parallel_loop3A_208] : memref<1024xf32, #tpu.memory_space<vmem>>[vector<16xi32>], vector<16xf32>,
        %parallel_loop3A_210 = arith.addi %parallel_loop3A_199, %broadcast_in_dim3A_11 : vector<16xi32>
        %parallel_loop3A_211 = tpu.vector_load_idx %arg17[%parallel_loop3A_210] : memref<1024xf32, #tpu.memory_space<vmem>>[vector<16xi32>], vector<16xf32>,
        %parallel_loop3A_212 = arith.index_cast %parallel_loop3A_191 : i32 to index
        %parallel_loop3A_213 = tpu.vector_load %arg18[%parallel_loop3A_212] {strides = array<i32>} : memref<272xi32, #tpu.memory_space<vmem>>, vector<16xi32>,
        %parallel_loop3A_214 = vector.extract_strided_slice %parallel_loop3A_213 {offsets = [0], sizes = [1], strides = [1]} : vector<16xi32> to vector<1xi32>
        %parallel_loop3A_215 = vector.extract %parallel_loop3A_214[0] : i32 from vector<1xi32>
        %parallel_loop3A_216 = arith.constant 1 : i32
        %parallel_loop3A_217 = arith.addi %parallel_loop3A_191, %parallel_loop3A_216 : i32
        %parallel_loop3A_218 = arith.index_cast %parallel_loop3A_217 : i32 to index
        %parallel_loop3A_219 = tpu.vector_load %arg18[%parallel_loop3A_218] {strides = array<i32>} : memref<272xi32, #tpu.memory_space<vmem>>, vector<16xi32>,
        %parallel_loop3A_220 = vector.extract_strided_slice %parallel_loop3A_219 {offsets = [0], sizes = [1], strides = [1]} : vector<16xi32> to vector<1xi32>
        %parallel_loop3A_221 = vector.extract %parallel_loop3A_220[0] : i32 from vector<1xi32>
        %parallel_loop3A_222 = arith.constant 0 : i32
        %parallel_loop3A_223 = arith.constant 32 : i32
        %parallel_loop3A_224 = arith.constant 1 : i32
        scf.for %parallel_loop3A_231 = %parallel_loop3A_222 to %parallel_loop3A_223 step %parallel_loop3A_224  : i32 {
          %parallel_loop3A_232 = arith.constant 16 : i32
          %parallel_loop3A_233 = arith.muli %parallel_loop3A_231, %parallel_loop3A_232 : i32
          %parallel_loop3A_234 = arith.index_cast %parallel_loop3A_215 : i32 to index
          %parallel_loop3A_235 = arith.index_cast %parallel_loop3A_233 : i32 to index
          %parallel_loop3A_236 = tpu.vector_load %arg14[%parallel_loop3A_234, %parallel_loop3A_235] {strides = array<i32>} : memref<20x512xf32, #tpu.memory_space<vmem>>, vector<16xf32>,
          %parallel_loop3A_237 = arith.index_cast %parallel_loop3A_188 : i32 to index
          %parallel_loop3A_238 = arith.index_cast %parallel_loop3A_233 : i32 to index
          %parallel_loop3A_239 = tpu.vector_load %arg12[%parallel_loop3A_237, %parallel_loop3A_238] {strides = array<i32>} : memref<16x1024xf32, #tpu.memory_space<vmem>>, vector<16xf32>,
          tpu.vector_store %arg12[%parallel_loop3A_237, %parallel_loop3A_238], %parallel_loop3A_236 {add = true, strides = array<i32>} : memref<16x1024xf32, #tpu.memory_space<vmem>>, vector<16xf32>,
          %parallel_loop3A_240 = arith.constant 1 : i32
          %parallel_loop3A_241 = arith.addi %parallel_loop3A_188, %parallel_loop3A_240 : i32
          %parallel_loop3A_242 = arith.index_cast %parallel_loop3A_221 : i32 to index
          %parallel_loop3A_243 = arith.index_cast %parallel_loop3A_233 : i32 to index
          %parallel_loop3A_244 = tpu.vector_load %arg14[%parallel_loop3A_242, %parallel_loop3A_243] {strides = array<i32>} : memref<20x512xf32, #tpu.memory_space<vmem>>, vector<16xf32>,
          %parallel_loop3A_245 = arith.index_cast %parallel_loop3A_241 : i32 to index
          %parallel_loop3A_246 = arith.index_cast %parallel_loop3A_233 : i32 to index
          %parallel_loop3A_247 = tpu.vector_load %arg12[%parallel_loop3A_245, %parallel_loop3A_246] {strides = array<i32>} : memref<16x1024xf32, #tpu.memory_space<vmem>>, vector<16xf32>,
          tpu.vector_store %arg12[%parallel_loop3A_245, %parallel_loop3A_246], %parallel_loop3A_244 {add = true, strides = array<i32>} : memref<16x1024xf32, #tpu.memory_space<vmem>>, vector<16xf32>,
        } {sc.loop_unroll_factor = 4 : i64, sc.parallel_access}
        %parallel_loop3A_225 = arith.constant 0 : i32
        %parallel_loop3A_226 = arith.constant 16 : i32
        %parallel_loop3A_227 = arith.constant 1 : i32
        scf.for %parallel_loop3A_231 = %parallel_loop3A_225 to %parallel_loop3A_226 step %parallel_loop3A_227  : i32 {
          %parallel_loop3A_232 = arith.constant 16 : i32
          %parallel_loop3A_233 = arith.muli %parallel_loop3A_231, %parallel_loop3A_232 : i32
          %parallel_loop3A_234 = arith.constant 512 : i32
          %parallel_loop3A_235 = arith.addi %parallel_loop3A_234, %parallel_loop3A_233 : i32
          %parallel_loop3A_236 = arith.constant 16 : i32
          %parallel_loop3A_237 = arith.muli %parallel_loop3A_231, %parallel_loop3A_236 : i32
          %parallel_loop3A_238 = arith.index_cast %parallel_loop3A_237 : i32 to index
          %parallel_loop3A_239 = tpu.vector_load %arg15[%parallel_loop3A_238] {strides = array<i32>} : memref<768xf32, #tpu.memory_space<vmem>>, vector<16xf32>,
          %parallel_loop3A_240 = arith.constant 16 : i32
          %parallel_loop3A_241 = arith.muli %parallel_loop3A_231, %parallel_loop3A_240 : i32
          %parallel_loop3A_242 = arith.constant 256 : i32
          %parallel_loop3A_243 = arith.addi %parallel_loop3A_242, %parallel_loop3A_241 : i32
          %parallel_loop3A_244 = arith.index_cast %parallel_loop3A_243 : i32 to index
          %parallel_loop3A_245 = tpu.vector_load %arg15[%parallel_loop3A_244] {strides = array<i32>} : memref<768xf32, #tpu.memory_space<vmem>>, vector<16xf32>,
          %parallel_loop3A_246 = arith.constant 16 : i32
          %parallel_loop3A_247 = arith.muli %parallel_loop3A_231, %parallel_loop3A_246 : i32
          %parallel_loop3A_248 = arith.index_cast %parallel_loop3A_247 : i32 to index
          %parallel_loop3A_249 = tpu.vector_load %arg16[%parallel_loop3A_248] {strides = array<i32>} : memref<512xf32, #tpu.memory_space<vmem>>, vector<16xf32>,
          %parallel_loop3A_250 = arith.mulf %parallel_loop3A_201, %parallel_loop3A_239 : vector<16xf32>
          %parallel_loop3A_251 = arith.mulf %parallel_loop3A_203, %parallel_loop3A_245 : vector<16xf32>
          %parallel_loop3A_252 = arith.addf %parallel_loop3A_250, %parallel_loop3A_251 : vector<16xf32>
          %parallel_loop3A_253 = arith.addf %parallel_loop3A_249, %parallel_loop3A_252 : vector<16xf32>
          %parallel_loop3A_254 = arith.index_cast %parallel_loop3A_188 : i32 to index
          %parallel_loop3A_255 = arith.index_cast %parallel_loop3A_235 : i32 to index
          %parallel_loop3A_256 = tpu.vector_load %arg12[%parallel_loop3A_254, %parallel_loop3A_255] {strides = array<i32>} : memref<16x1024xf32, #tpu.memory_space<vmem>>, vector<16xf32>,
          tpu.vector_store %arg12[%parallel_loop3A_254, %parallel_loop3A_255], %parallel_loop3A_253 {add = true, strides = array<i32>} : memref<16x1024xf32, #tpu.memory_space<vmem>>, vector<16xf32>,
          %parallel_loop3A_257 = arith.constant 1 : i32
          %parallel_loop3A_258 = arith.addi %parallel_loop3A_188, %parallel_loop3A_257 : i32
          %parallel_loop3A_259 = arith.mulf %parallel_loop3A_207, %parallel_loop3A_239 : vector<16xf32>
          %parallel_loop3A_260 = arith.mulf %parallel_loop3A_209, %parallel_loop3A_245 : vector<16xf32>
          %parallel_loop3A_261 = arith.addf %parallel_loop3A_259, %parallel_loop3A_260 : vector<16xf32>
          %parallel_loop3A_262 = arith.addf %parallel_loop3A_249, %parallel_loop3A_261 : vector<16xf32>
          %parallel_loop3A_263 = arith.index_cast %parallel_loop3A_258 : i32 to index
          %parallel_loop3A_264 = arith.index_cast %parallel_loop3A_235 : i32 to index
          %parallel_loop3A_265 = tpu.vector_load %arg12[%parallel_loop3A_263, %parallel_loop3A_264] {strides = array<i32>} : memref<16x1024xf32, #tpu.memory_space<vmem>>, vector<16xf32>,
          tpu.vector_store %arg12[%parallel_loop3A_263, %parallel_loop3A_264], %parallel_loop3A_262 {add = true, strides = array<i32>} : memref<16x1024xf32, #tpu.memory_space<vmem>>, vector<16xf32>,
        } {sc.loop_unroll_factor = 4 : i64, sc.parallel_access}
        %parallel_loop3A_228 = arith.constant 0 : i32
        %parallel_loop3A_229 = arith.constant 16 : i32
        %parallel_loop3A_230 = arith.constant 1 : i32
        scf.for %parallel_loop3A_231 = %parallel_loop3A_228 to %parallel_loop3A_229 step %parallel_loop3A_230  : i32 {
          %parallel_loop3A_232 = arith.constant 16 : i32
          %parallel_loop3A_233 = arith.muli %parallel_loop3A_231, %parallel_loop3A_232 : i32
          %parallel_loop3A_234 = arith.constant 768 : i32
          %parallel_loop3A_235 = arith.addi %parallel_loop3A_234, %parallel_loop3A_233 : i32
          %parallel_loop3A_236 = arith.constant 16 : i32
          %parallel_loop3A_237 = arith.muli %parallel_loop3A_231, %parallel_loop3A_236 : i32
          %parallel_loop3A_238 = arith.constant 512 : i32
          %parallel_loop3A_239 = arith.addi %parallel_loop3A_238, %parallel_loop3A_237 : i32
          %parallel_loop3A_240 = arith.index_cast %parallel_loop3A_239 : i32 to index
          %parallel_loop3A_241 = tpu.vector_load %arg15[%parallel_loop3A_240] {strides = array<i32>} : memref<768xf32, #tpu.memory_space<vmem>>, vector<16xf32>,
          %parallel_loop3A_242 = arith.constant 16 : i32
          %parallel_loop3A_243 = arith.muli %parallel_loop3A_231, %parallel_loop3A_242 : i32
          %parallel_loop3A_244 = arith.constant 256 : i32
          %parallel_loop3A_245 = arith.addi %parallel_loop3A_244, %parallel_loop3A_243 : i32
          %parallel_loop3A_246 = arith.index_cast %parallel_loop3A_245 : i32 to index
          %parallel_loop3A_247 = tpu.vector_load %arg16[%parallel_loop3A_246] {strides = array<i32>} : memref<512xf32, #tpu.memory_space<vmem>>, vector<16xf32>,
          %parallel_loop3A_248 = arith.mulf %parallel_loop3A_205, %parallel_loop3A_241 : vector<16xf32>
          %parallel_loop3A_249 = arith.addf %parallel_loop3A_247, %parallel_loop3A_248 : vector<16xf32>
          %parallel_loop3A_250 = arith.index_cast %parallel_loop3A_188 : i32 to index
          %parallel_loop3A_251 = arith.index_cast %parallel_loop3A_235 : i32 to index
          %parallel_loop3A_252 = tpu.vector_load %arg12[%parallel_loop3A_250, %parallel_loop3A_251] {strides = array<i32>} : memref<16x1024xf32, #tpu.memory_space<vmem>>, vector<16xf32>,
          tpu.vector_store %arg12[%parallel_loop3A_250, %parallel_loop3A_251], %parallel_loop3A_249 {add = true, strides = array<i32>} : memref<16x1024xf32, #tpu.memory_space<vmem>>, vector<16xf32>,
          %parallel_loop3A_253 = arith.constant 1 : i32
          %parallel_loop3A_254 = arith.addi %parallel_loop3A_188, %parallel_loop3A_253 : i32
          %parallel_loop3A_255 = arith.mulf %parallel_loop3A_211, %parallel_loop3A_241 : vector<16xf32>
          %parallel_loop3A_256 = arith.addf %parallel_loop3A_247, %parallel_loop3A_255 : vector<16xf32>
          %parallel_loop3A_257 = arith.index_cast %parallel_loop3A_254 : i32 to index
          %parallel_loop3A_258 = arith.index_cast %parallel_loop3A_235 : i32 to index
          %parallel_loop3A_259 = tpu.vector_load %arg12[%parallel_loop3A_257, %parallel_loop3A_258] {strides = array<i32>} : memref<16x1024xf32, #tpu.memory_space<vmem>>, vector<16xf32>,
          tpu.vector_store %arg12[%parallel_loop3A_257, %parallel_loop3A_258], %parallel_loop3A_256 {add = true, strides = array<i32>} : memref<16x1024xf32, #tpu.memory_space<vmem>>, vector<16xf32>,
        } {sc.loop_unroll_factor = 4 : i64, sc.parallel_access}
      } {sc.loop_unroll_factor = 1 : i64, sc.parallel_access}
      %mul3A_134 = arith.constant 16 : i32
      %mul3A_135 = arith.muli %add3A_123, %mul3A_134 : i32
      %add3A_136 = arith.addi %mul3A_2, %mul3A_135 : i32
      %dma_start3A_137 = arith.constant 0 : i32
      %dma_start3A_138 = tpu.memref_slice %arg9[%add3A_136, %dma_start3A_137] : memref<8192x1024xf32, #tpu.memory_space<hbm>> -> memref<16x1024xf32, #tpu.memory_space<hbm>>
      %dma_start3A_139 = arith.constant 0 : i32
      %dma_start3A_140 = tpu.memref_slice %arg9[%add3A_136, %dma_start3A_139] : memref<8192x1024xf32, #tpu.memory_space<hbm>> -> memref<16x1024xf32, #tpu.memory_space<hbm>>
      tpu.enqueue_dma source(%arg12 : memref<16x1024xf32, #tpu.memory_space<vmem>>) target(%dma_start3A_140 : memref<16x1024xf32, #tpu.memory_space<hbm>>) target_semaphore(%arg25 : memref<!tpu.dma_semaphore, #tpu.memory_space<semaphore_mem>>)
      %ge3A_141 = arith.constant 1 : i32
      %ge3A_142 = arith.cmpi sge, %add3A_123, %ge3A_141 : i32
      %le3A_143 = arith.constant 12 : i32
      %le3A_144 = arith.cmpi sle, %add3A_123, %le3A_143 : i32
      %and3A_145 = arith.andi %ge3A_142, %le3A_144 : i1
      %convert_element_type3A_146 = arith.extui %and3A_145 : i1 to i32
      %cond3A_147 = arith.constant 0 : i32
      %cond3A_148 = arith.cmpi ne, %convert_element_type3A_146, %cond3A_147 : i32
      scf.if %cond3A_148 {
        %sub3A = arith.constant 1 : i32
        %sub3A_188 = arith.subi %add3A_123, %sub3A : i32
        %mul3A_189 = arith.constant 16 : i32
        %mul3A_190 = arith.muli %sub3A_188, %mul3A_189 : i32
        %add3A_191 = arith.addi %mul3A_2, %mul3A_190 : i32
        %dma_wait3A_192 = arith.constant 0 : i32
        %dma_wait3A_193 = tpu.memref_slice %arg9[%add3A_191, %dma_wait3A_192] : memref<8192x1024xf32, #tpu.memory_space<hbm>> -> memref<16x1024xf32, #tpu.memory_space<hbm>>
        %dma_wait3A_194 = arith.constant 0 : i32
        %dma_wait3A_195 = tpu.memref_slice %arg9[%add3A_191, %dma_wait3A_194] : memref<8192x1024xf32, #tpu.memory_space<hbm>> -> memref<16x1024xf32, #tpu.memory_space<hbm>>
        tpu.wait_dma2 semaphore(%arg24 : memref<!tpu.dma_semaphore, #tpu.memory_space<semaphore_mem>>) src(%arg11 : memref<16x1024xf32, #tpu.memory_space<vmem>>) dst(%dma_wait3A_195 : memref<16x1024xf32, #tpu.memory_space<hbm>>)
      } else {
      }
      %le3A_149 = arith.constant 12 : i32
      %le3A_150 = arith.cmpi sle, %add3A_123, %le3A_149 : i32
      %convert_element_type3A_151 = arith.extui %le3A_150 : i1 to i32
      %cond3A_152 = arith.constant 0 : i32
      %cond3A_153 = arith.cmpi ne, %convert_element_type3A_151, %cond3A_152 : i32
      scf.if %cond3A_153 {
        %add3A_188 = arith.constant 4 : i32
        %add3A_189 = arith.addi %add3A_123, %add3A_188 : i32
        %sub3A = arith.constant 1 : i32
        %sub3A_190 = arith.subi %add3A_189, %sub3A : i32
        %mul3A_191 = arith.constant 16 : i32
        %mul3A_192 = arith.muli %sub3A_190, %mul3A_191 : i32
        %add3A_193 = arith.addi %mul3A_2, %mul3A_192 : i32
        %dma_start3A_194 = arith.constant 0 : i32
        %dma_start3A_195 = tpu.memref_slice %arg8[%add3A_193, %dma_start3A_194] : memref<8192x1024xf32, #tpu.memory_space<hbm>> -> memref<16x1024xf32, #tpu.memory_space<hbm>>
        %dma_start3A_196 = arith.constant 0 : i32
        %dma_start3A_197 = tpu.memref_slice %arg8[%add3A_193, %dma_start3A_196] : memref<8192x1024xf32, #tpu.memory_space<hbm>> -> memref<16x1024xf32, #tpu.memory_space<hbm>>
        tpu.enqueue_dma source(%dma_start3A_197 : memref<16x1024xf32, #tpu.memory_space<hbm>>) target(%arg11 : memref<16x1024xf32, #tpu.memory_space<vmem>>) target_semaphore(%arg20 : memref<!tpu.dma_semaphore, #tpu.memory_space<semaphore_mem>>)
      } else {
      }
      %mul3A_154 = arith.constant 4 : i32
      %mul3A_155 = arith.muli %scan3A_57, %mul3A_154 : i32
      %add3A_156 = arith.constant 3 : i32
      %add3A_157 = arith.addi %mul3A_155, %add3A_156 : i32
      %mul3A_158 = arith.constant 16 : i32
      %mul3A_159 = arith.muli %add3A_157, %mul3A_158 : i32
      %add3A_160 = arith.addi %mul3A_2, %mul3A_159 : i32
      %dma_wait3A_161 = arith.constant 0 : i32
      %dma_wait3A_162 = tpu.memref_slice %arg8[%add3A_160, %dma_wait3A_161] : memref<8192x1024xf32, #tpu.memory_space<hbm>> -> memref<16x1024xf32, #tpu.memory_space<hbm>>
      %dma_wait3A_163 = arith.constant 0 : i32
      %dma_wait3A_164 = tpu.memref_slice %arg8[%add3A_160, %dma_wait3A_163] : memref<8192x1024xf32, #tpu.memory_space<hbm>> -> memref<16x1024xf32, #tpu.memory_space<hbm>>
      tpu.wait_dma2 semaphore(%arg22 : memref<!tpu.dma_semaphore, #tpu.memory_space<semaphore_mem>>) src(%dma_wait3A_164 : memref<16x1024xf32, #tpu.memory_space<hbm>>) dst(%arg13 : memref<16x1024xf32, #tpu.memory_space<vmem>>)
      %parallel_loop3A_165 = arith.constant 0 : i32
      %parallel_loop3A_166 = arith.constant 16 : i32
      %parallel_loop3A_167 = arith.constant 2 : i32
      scf.for %parallel_loop3A_188 = %parallel_loop3A_165 to %parallel_loop3A_166 step %parallel_loop3A_167  : i32 {
        %parallel_loop3A_189 = arith.constant 16 : i32
        %parallel_loop3A_190 = arith.muli %add3A_157, %parallel_loop3A_189 : i32
        %parallel_loop3A_191 = arith.addi %parallel_loop3A_190, %parallel_loop3A_188 : i32
        %parallel_loop3A_192 = arith.constant 4 : i32
        %parallel_loop3A_193 = arith.muli %parallel_loop3A_191, %parallel_loop3A_192 : i32
        %parallel_loop3A_194 = vector.broadcast %parallel_loop3A_193 : i32 to vector<16xi32>
        %parallel_loop3A_195 = arith.constant 1 : i32
        %parallel_loop3A_196 = arith.addi %parallel_loop3A_191, %parallel_loop3A_195 : i32
        %parallel_loop3A_197 = arith.constant 4 : i32
        %parallel_loop3A_198 = arith.muli %parallel_loop3A_196, %parallel_loop3A_197 : i32
        %parallel_loop3A_199 = vector.broadcast %parallel_loop3A_198 : i32 to vector<16xi32>
        %parallel_loop3A_200 = arith.addi %parallel_loop3A_194, %broadcast_in_dim3A_7 : vector<16xi32>
        %parallel_loop3A_201 = tpu.vector_load_idx %arg17[%parallel_loop3A_200] : memref<1024xf32, #tpu.memory_space<vmem>>[vector<16xi32>], vector<16xf32>,
        %parallel_loop3A_202 = arith.addi %parallel_loop3A_194, %broadcast_in_dim3A_9 : vector<16xi32>
        %parallel_loop3A_203 = tpu.vector_load_idx %arg17[%parallel_loop3A_202] : memref<1024xf32, #tpu.memory_space<vmem>>[vector<16xi32>], vector<16xf32>,
        %parallel_loop3A_204 = arith.addi %parallel_loop3A_194, %broadcast_in_dim3A_11 : vector<16xi32>
        %parallel_loop3A_205 = tpu.vector_load_idx %arg17[%parallel_loop3A_204] : memref<1024xf32, #tpu.memory_space<vmem>>[vector<16xi32>], vector<16xf32>,
        %parallel_loop3A_206 = arith.addi %parallel_loop3A_199, %broadcast_in_dim3A_7 : vector<16xi32>
        %parallel_loop3A_207 = tpu.vector_load_idx %arg17[%parallel_loop3A_206] : memref<1024xf32, #tpu.memory_space<vmem>>[vector<16xi32>], vector<16xf32>,
        %parallel_loop3A_208 = arith.addi %parallel_loop3A_199, %broadcast_in_dim3A_9 : vector<16xi32>
        %parallel_loop3A_209 = tpu.vector_load_idx %arg17[%parallel_loop3A_208] : memref<1024xf32, #tpu.memory_space<vmem>>[vector<16xi32>], vector<16xf32>,
        %parallel_loop3A_210 = arith.addi %parallel_loop3A_199, %broadcast_in_dim3A_11 : vector<16xi32>
        %parallel_loop3A_211 = tpu.vector_load_idx %arg17[%parallel_loop3A_210] : memref<1024xf32, #tpu.memory_space<vmem>>[vector<16xi32>], vector<16xf32>,
        %parallel_loop3A_212 = arith.index_cast %parallel_loop3A_191 : i32 to index
        %parallel_loop3A_213 = tpu.vector_load %arg18[%parallel_loop3A_212] {strides = array<i32>} : memref<272xi32, #tpu.memory_space<vmem>>, vector<16xi32>,
        %parallel_loop3A_214 = vector.extract_strided_slice %parallel_loop3A_213 {offsets = [0], sizes = [1], strides = [1]} : vector<16xi32> to vector<1xi32>
        %parallel_loop3A_215 = vector.extract %parallel_loop3A_214[0] : i32 from vector<1xi32>
        %parallel_loop3A_216 = arith.constant 1 : i32
        %parallel_loop3A_217 = arith.addi %parallel_loop3A_191, %parallel_loop3A_216 : i32
        %parallel_loop3A_218 = arith.index_cast %parallel_loop3A_217 : i32 to index
        %parallel_loop3A_219 = tpu.vector_load %arg18[%parallel_loop3A_218] {strides = array<i32>} : memref<272xi32, #tpu.memory_space<vmem>>, vector<16xi32>,
        %parallel_loop3A_220 = vector.extract_strided_slice %parallel_loop3A_219 {offsets = [0], sizes = [1], strides = [1]} : vector<16xi32> to vector<1xi32>
        %parallel_loop3A_221 = vector.extract %parallel_loop3A_220[0] : i32 from vector<1xi32>
        %parallel_loop3A_222 = arith.constant 0 : i32
        %parallel_loop3A_223 = arith.constant 32 : i32
        %parallel_loop3A_224 = arith.constant 1 : i32
        scf.for %parallel_loop3A_231 = %parallel_loop3A_222 to %parallel_loop3A_223 step %parallel_loop3A_224  : i32 {
          %parallel_loop3A_232 = arith.constant 16 : i32
          %parallel_loop3A_233 = arith.muli %parallel_loop3A_231, %parallel_loop3A_232 : i32
          %parallel_loop3A_234 = arith.index_cast %parallel_loop3A_215 : i32 to index
          %parallel_loop3A_235 = arith.index_cast %parallel_loop3A_233 : i32 to index
          %parallel_loop3A_236 = tpu.vector_load %arg14[%parallel_loop3A_234, %parallel_loop3A_235] {strides = array<i32>} : memref<20x512xf32, #tpu.memory_space<vmem>>, vector<16xf32>,
          %parallel_loop3A_237 = arith.index_cast %parallel_loop3A_188 : i32 to index
          %parallel_loop3A_238 = arith.index_cast %parallel_loop3A_233 : i32 to index
          %parallel_loop3A_239 = tpu.vector_load %arg13[%parallel_loop3A_237, %parallel_loop3A_238] {strides = array<i32>} : memref<16x1024xf32, #tpu.memory_space<vmem>>, vector<16xf32>,
          tpu.vector_store %arg13[%parallel_loop3A_237, %parallel_loop3A_238], %parallel_loop3A_236 {add = true, strides = array<i32>} : memref<16x1024xf32, #tpu.memory_space<vmem>>, vector<16xf32>,
          %parallel_loop3A_240 = arith.constant 1 : i32
          %parallel_loop3A_241 = arith.addi %parallel_loop3A_188, %parallel_loop3A_240 : i32
          %parallel_loop3A_242 = arith.index_cast %parallel_loop3A_221 : i32 to index
          %parallel_loop3A_243 = arith.index_cast %parallel_loop3A_233 : i32 to index
          %parallel_loop3A_244 = tpu.vector_load %arg14[%parallel_loop3A_242, %parallel_loop3A_243] {strides = array<i32>} : memref<20x512xf32, #tpu.memory_space<vmem>>, vector<16xf32>,
          %parallel_loop3A_245 = arith.index_cast %parallel_loop3A_241 : i32 to index
          %parallel_loop3A_246 = arith.index_cast %parallel_loop3A_233 : i32 to index
          %parallel_loop3A_247 = tpu.vector_load %arg13[%parallel_loop3A_245, %parallel_loop3A_246] {strides = array<i32>} : memref<16x1024xf32, #tpu.memory_space<vmem>>, vector<16xf32>,
          tpu.vector_store %arg13[%parallel_loop3A_245, %parallel_loop3A_246], %parallel_loop3A_244 {add = true, strides = array<i32>} : memref<16x1024xf32, #tpu.memory_space<vmem>>, vector<16xf32>,
        } {sc.loop_unroll_factor = 4 : i64, sc.parallel_access}
        %parallel_loop3A_225 = arith.constant 0 : i32
        %parallel_loop3A_226 = arith.constant 16 : i32
        %parallel_loop3A_227 = arith.constant 1 : i32
        scf.for %parallel_loop3A_231 = %parallel_loop3A_225 to %parallel_loop3A_226 step %parallel_loop3A_227  : i32 {
          %parallel_loop3A_232 = arith.constant 16 : i32
          %parallel_loop3A_233 = arith.muli %parallel_loop3A_231, %parallel_loop3A_232 : i32
          %parallel_loop3A_234 = arith.constant 512 : i32
          %parallel_loop3A_235 = arith.addi %parallel_loop3A_234, %parallel_loop3A_233 : i32
          %parallel_loop3A_236 = arith.constant 16 : i32
          %parallel_loop3A_237 = arith.muli %parallel_loop3A_231, %parallel_loop3A_236 : i32
          %parallel_loop3A_238 = arith.index_cast %parallel_loop3A_237 : i32 to index
          %parallel_loop3A_239 = tpu.vector_load %arg15[%parallel_loop3A_238] {strides = array<i32>} : memref<768xf32, #tpu.memory_space<vmem>>, vector<16xf32>,
          %parallel_loop3A_240 = arith.constant 16 : i32
          %parallel_loop3A_241 = arith.muli %parallel_loop3A_231, %parallel_loop3A_240 : i32
          %parallel_loop3A_242 = arith.constant 256 : i32
          %parallel_loop3A_243 = arith.addi %parallel_loop3A_242, %parallel_loop3A_241 : i32
          %parallel_loop3A_244 = arith.index_cast %parallel_loop3A_243 : i32 to index
          %parallel_loop3A_245 = tpu.vector_load %arg15[%parallel_loop3A_244] {strides = array<i32>} : memref<768xf32, #tpu.memory_space<vmem>>, vector<16xf32>,
          %parallel_loop3A_246 = arith.constant 16 : i32
          %parallel_loop3A_247 = arith.muli %parallel_loop3A_231, %parallel_loop3A_246 : i32
          %parallel_loop3A_248 = arith.index_cast %parallel_loop3A_247 : i32 to index
          %parallel_loop3A_249 = tpu.vector_load %arg16[%parallel_loop3A_248] {strides = array<i32>} : memref<512xf32, #tpu.memory_space<vmem>>, vector<16xf32>,
          %parallel_loop3A_250 = arith.mulf %parallel_loop3A_201, %parallel_loop3A_239 : vector<16xf32>
          %parallel_loop3A_251 = arith.mulf %parallel_loop3A_203, %parallel_loop3A_245 : vector<16xf32>
          %parallel_loop3A_252 = arith.addf %parallel_loop3A_250, %parallel_loop3A_251 : vector<16xf32>
          %parallel_loop3A_253 = arith.addf %parallel_loop3A_249, %parallel_loop3A_252 : vector<16xf32>
          %parallel_loop3A_254 = arith.index_cast %parallel_loop3A_188 : i32 to index
          %parallel_loop3A_255 = arith.index_cast %parallel_loop3A_235 : i32 to index
          %parallel_loop3A_256 = tpu.vector_load %arg13[%parallel_loop3A_254, %parallel_loop3A_255] {strides = array<i32>} : memref<16x1024xf32, #tpu.memory_space<vmem>>, vector<16xf32>,
          tpu.vector_store %arg13[%parallel_loop3A_254, %parallel_loop3A_255], %parallel_loop3A_253 {add = true, strides = array<i32>} : memref<16x1024xf32, #tpu.memory_space<vmem>>, vector<16xf32>,
          %parallel_loop3A_257 = arith.constant 1 : i32
          %parallel_loop3A_258 = arith.addi %parallel_loop3A_188, %parallel_loop3A_257 : i32
          %parallel_loop3A_259 = arith.mulf %parallel_loop3A_207, %parallel_loop3A_239 : vector<16xf32>
          %parallel_loop3A_260 = arith.mulf %parallel_loop3A_209, %parallel_loop3A_245 : vector<16xf32>
          %parallel_loop3A_261 = arith.addf %parallel_loop3A_259, %parallel_loop3A_260 : vector<16xf32>
          %parallel_loop3A_262 = arith.addf %parallel_loop3A_249, %parallel_loop3A_261 : vector<16xf32>
          %parallel_loop3A_263 = arith.index_cast %parallel_loop3A_258 : i32 to index
          %parallel_loop3A_264 = arith.index_cast %parallel_loop3A_235 : i32 to index
          %parallel_loop3A_265 = tpu.vector_load %arg13[%parallel_loop3A_263, %parallel_loop3A_264] {strides = array<i32>} : memref<16x1024xf32, #tpu.memory_space<vmem>>, vector<16xf32>,
          tpu.vector_store %arg13[%parallel_loop3A_263, %parallel_loop3A_264], %parallel_loop3A_262 {add = true, strides = array<i32>} : memref<16x1024xf32, #tpu.memory_space<vmem>>, vector<16xf32>,
        } {sc.loop_unroll_factor = 4 : i64, sc.parallel_access}
        %parallel_loop3A_228 = arith.constant 0 : i32
        %parallel_loop3A_229 = arith.constant 16 : i32
        %parallel_loop3A_230 = arith.constant 1 : i32
        scf.for %parallel_loop3A_231 = %parallel_loop3A_228 to %parallel_loop3A_229 step %parallel_loop3A_230  : i32 {
          %parallel_loop3A_232 = arith.constant 16 : i32
          %parallel_loop3A_233 = arith.muli %parallel_loop3A_231, %parallel_loop3A_232 : i32
          %parallel_loop3A_234 = arith.constant 768 : i32
          %parallel_loop3A_235 = arith.addi %parallel_loop3A_234, %parallel_loop3A_233 : i32
          %parallel_loop3A_236 = arith.constant 16 : i32
          %parallel_loop3A_237 = arith.muli %parallel_loop3A_231, %parallel_loop3A_236 : i32
          %parallel_loop3A_238 = arith.constant 512 : i32
          %parallel_loop3A_239 = arith.addi %parallel_loop3A_238, %parallel_loop3A_237 : i32
          %parallel_loop3A_240 = arith.index_cast %parallel_loop3A_239 : i32 to index
          %parallel_loop3A_241 = tpu.vector_load %arg15[%parallel_loop3A_240] {strides = array<i32>} : memref<768xf32, #tpu.memory_space<vmem>>, vector<16xf32>,
          %parallel_loop3A_242 = arith.constant 16 : i32
          %parallel_loop3A_243 = arith.muli %parallel_loop3A_231, %parallel_loop3A_242 : i32
          %parallel_loop3A_244 = arith.constant 256 : i32
          %parallel_loop3A_245 = arith.addi %parallel_loop3A_244, %parallel_loop3A_243 : i32
          %parallel_loop3A_246 = arith.index_cast %parallel_loop3A_245 : i32 to index
          %parallel_loop3A_247 = tpu.vector_load %arg16[%parallel_loop3A_246] {strides = array<i32>} : memref<512xf32, #tpu.memory_space<vmem>>, vector<16xf32>,
          %parallel_loop3A_248 = arith.mulf %parallel_loop3A_205, %parallel_loop3A_241 : vector<16xf32>
          %parallel_loop3A_249 = arith.addf %parallel_loop3A_247, %parallel_loop3A_248 : vector<16xf32>
          %parallel_loop3A_250 = arith.index_cast %parallel_loop3A_188 : i32 to index
          %parallel_loop3A_251 = arith.index_cast %parallel_loop3A_235 : i32 to index
          %parallel_loop3A_252 = tpu.vector_load %arg13[%parallel_loop3A_250, %parallel_loop3A_251] {strides = array<i32>} : memref<16x1024xf32, #tpu.memory_space<vmem>>, vector<16xf32>,
          tpu.vector_store %arg13[%parallel_loop3A_250, %parallel_loop3A_251], %parallel_loop3A_249 {add = true, strides = array<i32>} : memref<16x1024xf32, #tpu.memory_space<vmem>>, vector<16xf32>,
          %parallel_loop3A_253 = arith.constant 1 : i32
          %parallel_loop3A_254 = arith.addi %parallel_loop3A_188, %parallel_loop3A_253 : i32
          %parallel_loop3A_255 = arith.mulf %parallel_loop3A_211, %parallel_loop3A_241 : vector<16xf32>
          %parallel_loop3A_256 = arith.addf %parallel_loop3A_247, %parallel_loop3A_255 : vector<16xf32>
          %parallel_loop3A_257 = arith.index_cast %parallel_loop3A_254 : i32 to index
          %parallel_loop3A_258 = arith.index_cast %parallel_loop3A_235 : i32 to index
          %parallel_loop3A_259 = tpu.vector_load %arg13[%parallel_loop3A_257, %parallel_loop3A_258] {strides = array<i32>} : memref<16x1024xf32, #tpu.memory_space<vmem>>, vector<16xf32>,
          tpu.vector_store %arg13[%parallel_loop3A_257, %parallel_loop3A_258], %parallel_loop3A_256 {add = true, strides = array<i32>} : memref<16x1024xf32, #tpu.memory_space<vmem>>, vector<16xf32>,
        } {sc.loop_unroll_factor = 4 : i64, sc.parallel_access}
      } {sc.loop_unroll_factor = 1 : i64, sc.parallel_access}
      %mul3A_168 = arith.constant 16 : i32
      %mul3A_169 = arith.muli %add3A_157, %mul3A_168 : i32
      %add3A_170 = arith.addi %mul3A_2, %mul3A_169 : i32
      %dma_start3A_171 = arith.constant 0 : i32
      %dma_start3A_172 = tpu.memref_slice %arg9[%add3A_170, %dma_start3A_171] : memref<8192x1024xf32, #tpu.memory_space<hbm>> -> memref<16x1024xf32, #tpu.memory_space<hbm>>
      %dma_start3A_173 = arith.constant 0 : i32
      %dma_start3A_174 = tpu.memref_slice %arg9[%add3A_170, %dma_start3A_173] : memref<8192x1024xf32, #tpu.memory_space<hbm>> -> memref<16x1024xf32, #tpu.memory_space<hbm>>
      tpu.enqueue_dma source(%arg13 : memref<16x1024xf32, #tpu.memory_space<vmem>>) target(%dma_start3A_174 : memref<16x1024xf32, #tpu.memory_space<hbm>>) target_semaphore(%arg26 : memref<!tpu.dma_semaphore, #tpu.memory_space<semaphore_mem>>)
      %ge3A_175 = arith.constant 1 : i32
      %ge3A_176 = arith.cmpi sge, %add3A_157, %ge3A_175 : i32
      %le3A_177 = arith.constant 12 : i32
      %le3A_178 = arith.cmpi sle, %add3A_157, %le3A_177 : i32
      %and3A_179 = arith.andi %ge3A_176, %le3A_178 : i1
      %convert_element_type3A_180 = arith.extui %and3A_179 : i1 to i32
      %cond3A_181 = arith.constant 0 : i32
      %cond3A_182 = arith.cmpi ne, %convert_element_type3A_180, %cond3A_181 : i32
      scf.if %cond3A_182 {
        %sub3A = arith.constant 1 : i32
        %sub3A_188 = arith.subi %add3A_157, %sub3A : i32
        %mul3A_189 = arith.constant 16 : i32
        %mul3A_190 = arith.muli %sub3A_188, %mul3A_189 : i32
        %add3A_191 = arith.addi %mul3A_2, %mul3A_190 : i32
        %dma_wait3A_192 = arith.constant 0 : i32
        %dma_wait3A_193 = tpu.memref_slice %arg9[%add3A_191, %dma_wait3A_192] : memref<8192x1024xf32, #tpu.memory_space<hbm>> -> memref<16x1024xf32, #tpu.memory_space<hbm>>
        %dma_wait3A_194 = arith.constant 0 : i32
        %dma_wait3A_195 = tpu.memref_slice %arg9[%add3A_191, %dma_wait3A_194] : memref<8192x1024xf32, #tpu.memory_space<hbm>> -> memref<16x1024xf32, #tpu.memory_space<hbm>>
        tpu.wait_dma2 semaphore(%arg25 : memref<!tpu.dma_semaphore, #tpu.memory_space<semaphore_mem>>) src(%arg12 : memref<16x1024xf32, #tpu.memory_space<vmem>>) dst(%dma_wait3A_195 : memref<16x1024xf32, #tpu.memory_space<hbm>>)
      } else {
      }
      %le3A_183 = arith.constant 12 : i32
      %le3A_184 = arith.cmpi sle, %add3A_157, %le3A_183 : i32
      %convert_element_type3A_185 = arith.extui %le3A_184 : i1 to i32
      %cond3A_186 = arith.constant 0 : i32
      %cond3A_187 = arith.cmpi ne, %convert_element_type3A_185, %cond3A_186 : i32
      scf.if %cond3A_187 {
        %add3A_188 = arith.constant 4 : i32
        %add3A_189 = arith.addi %add3A_157, %add3A_188 : i32
        %sub3A = arith.constant 1 : i32
        %sub3A_190 = arith.subi %add3A_189, %sub3A : i32
        %mul3A_191 = arith.constant 16 : i32
        %mul3A_192 = arith.muli %sub3A_190, %mul3A_191 : i32
        %add3A_193 = arith.addi %mul3A_2, %mul3A_192 : i32
        %dma_start3A_194 = arith.constant 0 : i32
        %dma_start3A_195 = tpu.memref_slice %arg8[%add3A_193, %dma_start3A_194] : memref<8192x1024xf32, #tpu.memory_space<hbm>> -> memref<16x1024xf32, #tpu.memory_space<hbm>>
        %dma_start3A_196 = arith.constant 0 : i32
        %dma_start3A_197 = tpu.memref_slice %arg8[%add3A_193, %dma_start3A_196] : memref<8192x1024xf32, #tpu.memory_space<hbm>> -> memref<16x1024xf32, #tpu.memory_space<hbm>>
        tpu.enqueue_dma source(%dma_start3A_197 : memref<16x1024xf32, #tpu.memory_space<hbm>>) target(%arg12 : memref<16x1024xf32, #tpu.memory_space<vmem>>) target_semaphore(%arg21 : memref<!tpu.dma_semaphore, #tpu.memory_space<semaphore_mem>>)
      } else {
      }
    }
    %scan3A_33 = arith.constant 4 : i32
    %add3A_34 = arith.constant 192 : i32
    %add3A_35 = arith.addi %mul3A_2, %add3A_34 : i32
    %dma_wait3A = arith.constant 0 : i32
    %dma_wait3A_36 = tpu.memref_slice %arg9[%add3A_35, %dma_wait3A] : memref<8192x1024xf32, #tpu.memory_space<hbm>> -> memref<16x1024xf32, #tpu.memory_space<hbm>>
    %dma_wait3A_37 = arith.constant 0 : i32
    %dma_wait3A_38 = tpu.memref_slice %arg9[%add3A_35, %dma_wait3A_37] : memref<8192x1024xf32, #tpu.memory_space<hbm>> -> memref<16x1024xf32, #tpu.memory_space<hbm>>
    tpu.wait_dma2 semaphore(%arg23 : memref<!tpu.dma_semaphore, #tpu.memory_space<semaphore_mem>>) src(%arg10 : memref<16x1024xf32, #tpu.memory_space<vmem>>) dst(%dma_wait3A_38 : memref<16x1024xf32, #tpu.memory_space<hbm>>)
    %add3A_39 = arith.constant 208 : i32
    %add3A_40 = arith.addi %mul3A_2, %add3A_39 : i32
    %dma_wait3A_41 = arith.constant 0 : i32
    %dma_wait3A_42 = tpu.memref_slice %arg9[%add3A_40, %dma_wait3A_41] : memref<8192x1024xf32, #tpu.memory_space<hbm>> -> memref<16x1024xf32, #tpu.memory_space<hbm>>
    %dma_wait3A_43 = arith.constant 0 : i32
    %dma_wait3A_44 = tpu.memref_slice %arg9[%add3A_40, %dma_wait3A_43] : memref<8192x1024xf32, #tpu.memory_space<hbm>> -> memref<16x1024xf32, #tpu.memory_space<hbm>>
    tpu.wait_dma2 semaphore(%arg24 : memref<!tpu.dma_semaphore, #tpu.memory_space<semaphore_mem>>) src(%arg11 : memref<16x1024xf32, #tpu.memory_space<vmem>>) dst(%dma_wait3A_44 : memref<16x1024xf32, #tpu.memory_space<hbm>>)
    %add3A_45 = arith.constant 224 : i32
    %add3A_46 = arith.addi %mul3A_2, %add3A_45 : i32
    %dma_wait3A_47 = arith.constant 0 : i32
    %dma_wait3A_48 = tpu.memref_slice %arg9[%add3A_46, %dma_wait3A_47] : memref<8192x1024xf32, #tpu.memory_space<hbm>> -> memref<16x1024xf32, #tpu.memory_space<hbm>>
    %dma_wait3A_49 = arith.constant 0 : i32
    %dma_wait3A_50 = tpu.memref_slice %arg9[%add3A_46, %dma_wait3A_49] : memref<8192x1024xf32, #tpu.memory_space<hbm>> -> memref<16x1024xf32, #tpu.memory_space<hbm>>
    tpu.wait_dma2 semaphore(%arg25 : memref<!tpu.dma_semaphore, #tpu.memory_space<semaphore_mem>>) src(%arg12 : memref<16x1024xf32, #tpu.memory_space<vmem>>) dst(%dma_wait3A_50 : memref<16x1024xf32, #tpu.memory_space<hbm>>)
    %add3A_51 = arith.constant 240 : i32
    %add3A_52 = arith.addi %mul3A_2, %add3A_51 : i32
    %dma_wait3A_53 = arith.constant 0 : i32
    %dma_wait3A_54 = tpu.memref_slice %arg9[%add3A_52, %dma_wait3A_53] : memref<8192x1024xf32, #tpu.memory_space<hbm>> -> memref<16x1024xf32, #tpu.memory_space<hbm>>
    %dma_wait3A_55 = arith.constant 0 : i32
    %dma_wait3A_56 = tpu.memref_slice %arg9[%add3A_52, %dma_wait3A_55] : memref<8192x1024xf32, #tpu.memory_space<hbm>> -> memref<16x1024xf32, #tpu.memory_space<hbm>>
    tpu.wait_dma2 semaphore(%arg26 : memref<!tpu.dma_semaphore, #tpu.memory_space<semaphore_mem>>) src(%arg13 : memref<16x1024xf32, #tpu.memory_space<vmem>>) dst(%dma_wait3A_56 : memref<16x1024xf32, #tpu.memory_space<hbm>>)
    return
  }
}

</mosaic_0001>

<sc_bundles>
// kernel: kernel.3.cloned.1.call-start
scs
__scs_entry_jumppad:
0x0: {  	(pc) =	sbr.rel $0x88, $3  }
0x1: {  	(tag) =	ssettag $0x0;
	lr =	simm.s32 $0x1  }
0x2: {  	[smem:$0x3F9A] =	sst lr;
	_ =	strace $0xD0000000  }
0x3: {  	_ = 	snop  }
0x4: {  	_ = 	snop  }
0x5: {  	_ = 	snop  }
0x6: {  	_ = 	snop  }
0x7: {  	_ = 	snop  }
__scs_overlays_trampoline_lowered:
0x8: {  	[smem:$0x3FA9] =	sst s0  }
0x9: {  	[smem:$0x3FAA] =	sst s1  }
0xa: {  	[smem:$0x3FAB] =	sst s2  }
0xb: {  	[smem:$0x3FAC] =	sst s3  }
0xc: {  	[smem:$0x3FAD] =	sst s4  }
0xd: {  	[smem:$0x3FAE] =	sst s5  }
0xe: {  	[smem:$0x3FAF] =	sst s6  }
0xf: {  	[smem:$0x3FB0] =	sst s7  }
0x10: {  	[smem:$0x3FB1] =	sst s8  }
0x11: {  	[smem:$0x3FB2] =	sst s9;
	s0 =	simm.s32 @!p0 $0x0  }
0x12: {  	s1 =	sld [smem:$0x3F98];
	s0 =	simm.s32 @p0 $0x1  }
0x13: {  	[smem:$0x3FB3] =	sst s0;
	s0 =	simm.s32 @!p1 $0x0  }
0x14: {  	s2 =	sld [smem:$0x3F97];
	s0 =	simm.s32 @p1 $0x1  }
0x15: {  	[smem:$0x3FB4] =	sst s0;
	s0 =	simm.s32 @!p2 $0x0  }
0x16: {  	s3 =	sld [smem:$0x3FDB];
	s0 =	simm.s32 @p2 $0x1  }
0x17: {  	s4 =	simm.s32 $0x1BF5;
	[smem:$0x3FB6] =	sst s0  }
0x18: {  	s0 =	sld [smem:$0x3F99];
	_ =	swait.ge [sflag:s4], $0x0  }
0x19: {  	s7 =	sld [smem:$0x3F9A]  }
0x1a: {  	s8 =	sadd.s32 $0xFFFFE003, lr  }
0x1b: {  	s9 =	sadd.s32 $0xFFFFFEF7, lr;
	s5 =	simm.s32 $0xFFFFFFFF;
	p2 =	slt.u32 s8, $0xFFFFF086  }
0x1c: {  	p1 =	slt.u32 s9, $0xF7A;
	s5 =	simm.s32 @!p2 $0x0  }
0x1d: {  	s5 =	simm.s32 @p1 $0x1;
	p0 =	seq.s32 s7, s2  }
0x1e: {  	s7 =	smul.u32 @!p0 $0xF7A, s2;
	p2 =	seq.s32 @!p0 s5, $0x0  }
0x1f: {  	s9 =	smul.u32 $0xF7A, s1;
	s8 =	simm.s32 @!p0 $0x1BF5;
	p2 =	por !p2, p0  }
0x20: {  	[sflag:s8] =	ssyncset.s32 @!p0 $0xFFFFF086;
	s6 =	sadd.s32 @!p0 s3, s7;
	s7 =	simm.s32 @!p0 $0x108  }
0x21: {  	s3 =	sadd.s32 s3, s9;
	s6 =	sadd.s32 @!p0 $0x88, s6;
	s7 =	simm.s32 @p2 $0x1082  }
0x22: {  	[simem:s7], [sflag:s8] =	dma.local @!p0 [hbm:s6], $0xF7A  }
0x23: {  	s9 =	sor.u32 $0xD0000000, s2;
	s6 =	simm.s32 $0x108;
	_ =	swait.ge @!p0 [sflag:s8], $0x0  }
0x24: {  	s3 =	sadd.s32 $0x88, s3;
	s6 =	simm.s32 @!p1 $0x1082;
	[sflag:s4] =	ssyncset.s32 $0xFFFFF086  }
0x25: {  	[simem:s6], [sflag:s4] =	dma.local [hbm:s3], $0xF7A  }
0x26: {  	[smem:$0x3F9A] =	sst s1;
	(tag) =	ssettag s2;
	_ =	strace s9  }
0x27: {  	s1 =	sld [smem:$0x3FAA]  }
0x28: {  	s2 =	sld [smem:$0x3FAB]  }
0x29: {  	s4 =	sld [smem:$0x3FAD]  }
0x2a: {  	p0 =	seq.s32 s5, $0x0;
	s5 =	sld [smem:$0x3FAE]  }
0x2b: {  	s6 =	sld [smem:$0x3FAF]  }
0x2c: {  	s7 =	sld [smem:$0x3FB0]  }
0x2d: {  	s3 =	simm.s32 $0x108;
	s8 =	sld [smem:$0x3FB1]  }
0x2e: {  	s3 =	simm.s32 @!p0 $0x1082;
	s9 =	sld [smem:$0x3FB2]  }
0x2f: {  	lr =	sadd.s32 s0, s3;
	s0 =	sld [smem:$0x3FA9]  }
0x30: {  	s3 =	sld [smem:$0x3FAC]  }
0x31: {  	[smem:$0x3FB5] =	sst s10  }
0x32: {  	s10 =	sld [smem:$0x3FB3];
	_ =	sdelay $0x3  }
0x33: {  	p0 =	seq.s32 s10, $0x1;
	s10 =	sld [smem:$0x3FB5];
	_ =	sdelay $0x3  }
0x34: {  	[smem:$0x3FB5] =	sst s10  }
0x35: {  	s10 =	sld [smem:$0x3FB4];
	_ =	sdelay $0x3  }
0x36: {  	p1 =	seq.s32 s10, $0x1;
	s10 =	sld [smem:$0x3FB5];
	_ =	sdelay $0x3  }
0x37: {  	[smem:$0x3FB5] =	sst s10  }
0x38: {  	s10 =	sld [smem:$0x3FB6]  }
0x39: {  	_ = 	snop;
	(pc) =	sbr.ind lr, $3  }
0x3a: {  	_ = 	snop  }
0x3b: {  	_ = 	snop  }
0x3c: {  	p2 =	seq.s32 s10, $0x1;
	s10 =	sld [smem:$0x3FB5]  }
0x3d: {  	_ =	shalt  }
0x3e: {  	_ =	shalt  }
0x3f: {  	_ =	shalt  }
0x40: {  	_ =	shalt  }
0x41: {  	_ =	shalt  }
0x42: {  	_ =	shalt  }
0x43: {  	_ =	shalt  }
0x44: {  	_ =	shalt  }
0x45: {  	_ =	shalt  }
0x46: {  	_ =	shalt  }
0x47: {  	_ =	shalt  }
0x48: {  	_ =	shalt  }
0x49: {  	_ =	shalt  }
0x4a: {  	_ =	shalt  }
0x4b: {  	_ =	shalt  }
0x4c: {  	_ =	shalt  }
0x4d: {  	_ =	shalt  }
0x4e: {  	_ =	shalt  }
0x4f: {  	_ =	shalt  }
0x50: {  	_ =	shalt  }
0x51: {  	_ =	shalt  }
0x52: {  	_ =	shalt  }
0x53: {  	_ =	shalt  }
0x54: {  	_ =	shalt  }
0x55: {  	_ =	shalt  }
0x56: {  	_ =	shalt  }
0x57: {  	_ =	shalt  }
0x58: {  	_ =	shalt  }
0x59: {  	_ =	shalt  }
0x5a: {  	_ =	shalt  }
0x5b: {  	_ =	shalt  }
0x5c: {  	_ =	shalt  }
0x5d: {  	_ =	shalt  }
0x5e: {  	_ =	shalt  }
0x5f: {  	_ =	shalt  }
0x60: {  	_ =	shalt  }
0x61: {  	_ =	shalt  }
0x62: {  	_ =	shalt  }
0x63: {  	_ =	shalt  }
0x64: {  	_ =	shalt  }
0x65: {  	_ =	shalt  }
0x66: {  	_ =	shalt  }
0x67: {  	_ =	shalt  }
0x68: {  	_ =	shalt  }
0x69: {  	_ =	shalt  }
0x6a: {  	_ =	shalt  }
0x6b: {  	_ =	shalt  }
0x6c: {  	_ =	shalt  }
0x6d: {  	_ =	shalt  }
0x6e: {  	_ =	shalt  }
0x6f: {  	_ =	shalt  }
0x70: {  	_ =	shalt  }
0x71: {  	_ =	shalt  }
0x72: {  	_ =	shalt  }
0x73: {  	_ =	shalt  }
0x74: {  	_ =	shalt  }
0x75: {  	_ =	shalt  }
0x76: {  	_ =	shalt  }
0x77: {  	_ =	shalt  }
0x78: {  	_ =	shalt  }
0x79: {  	_ =	shalt  }
0x7a: {  	_ =	shalt  }
0x7b: {  	_ =	shalt  }
0x7c: {  	_ =	shalt  }
0x7d: {  	_ =	shalt  }
0x7e: {  	_ =	shalt  }
0x7f: {  	_ =	shalt  }
0x80: {  	_ =	shalt  }
0x81: {  	_ =	shalt  }
0x82: {  	_ =	shalt  }
0x83: {  	_ =	shalt  }
0x84: {  	_ =	shalt  }
0x85: {  	_ =	shalt  }
0x86: {  	_ =	shalt  }
0x87: {  	_ =	shalt  }
.Lfunc_end0:
.L_simem_size_0:
called_computation_lowered:
.L_overlay_start_0:
0x88: {  	s2 =	sld [smem:$0x3FD9]  }
0x89: {  	s3 =	sld [smem:$0x3FFE];
	_ =	sdelay $0x1  }
0x8a: {  	s1 =	srdreg.scid  }
0x8b: {  	s0 =	sand.u32 $0x1, s1  }
0x8c: {  	s17 =	sshll.u32 s0, $0xA;
	s2 =	sadd.s32 s3, s2  }
0x8d: {  	s2 =	sadd.s32 s2, s17  }
0x8e: {  	[smem:$0x3FC1] =	sst s2  }
0x8f: {  	_ = 	snop  }
0x90: {  	s2 =	sld [smem:$0x3FC8]  }
0x91: {  	s18 =	sld [smem:$0x3FC7]  }
0x92: {  	s4 =	sld [smem:$0x3FC5]  }
0x93: {  	s5 =	sld [smem:$0x3FC3]  }
0x94: {  	s6 =	sld [smem:$0x3FD0];
	(tm) =	ssettm $0x1  }
0x95: {  	s7 =	sld [smem:$0x3FFB];
	_ =	sdelay $0x3  }
0x96: {  	_ =	strace s7  }
0x97: {  	s7 =	sld [smem:$0x3FFC];
	_ =	sdelay $0x3  }
0x98: {  	_ =	strace s7  }
0x99: {  	s7 =	sld [smem:$0x3FFD];
	_ =	sdelay $0x3  }
0x9a: {  	_ =	strace s7  }
0x9b: {  	_ =	strace $0x8FFFFFFF  }
0x9c: {  	s19 =	sld [smem:$0x3FDB];
	_ =	sdelay $0x1  }
0x9d: {  	s8 =	simm.s32 $_scs_section_size  }
0x9e: {  	s9 =	simm.s32 $_size__tile_overlayer_lowered;
	s10 =	simm.s32 $_tile_overlayer_lowered  }
0x9f: {  	s22 =	simm.s32 $0x1BFF;
	s21 =	sshll.u32 s10, $0x1;
	s7 =	sadd.s32 s8, s19  }
0xa0: {  	s11 =	simm.s32 $0x0;
	s20 =	sshll.u32 s9, $0x1;
	s9 =	sadd.s32 s21, s7  }
0xa1: {  	[timem:s11], [sflag:s22] =	dma.local [hbm:s9], s20  }
0xa2: {  	_ =	swait.ge [sflag:s22], s20  }
0xa3: {  	s8 =	ssub.s32 $0x0, s20;
	[sflag:s22] =	ssyncset.done $0x0  }
0xa4: {  	[sflag:s22] =	ssyncadd.s32 s8;
	_ =	sdelay $0x1  }
0xa5: {  	s23 =	simm.s32 $0x1B8B  }
0xa6: {  	_ =	swait.ge [sflag:s23], $0x1  }
0xa7: {  	[sflag:s23] =	ssyncset.done $0x0  }
0xa8: {  	s25 =	simm.s32 $0x1B8E;
	s24 =	sld [smem:$0x3FFE];
	[sflag:s23] =	ssyncadd.s32 $0xFFFFFFFF  }
0xa9: {  	s26 =	simm.s32 $execute0_lowered;
	[smem:$0x3FD2] =	sst s25  }
0xaa: {  	s9 =	sshll.u32 s26, $0x1;
	_ =	strace $0x80000046;
	[dreg:$0x1] =	wrdreg $0xFFFFFFFF  }
0xab: {  	s28 =	simm.s32 $_size_execute0_lowered;
	s7 =	sadd.s32 s7, s9;
	[dreg:$0x0] =	wrdreg $0x0  }
0xac: {  	s9 =	sshll.u32 s28, $0x1;
	[dreg:$0x2] =	wrdreg s7  }
0xad: {  	[dreg:$0x3] =	wrdreg s9  }
0xae: {  	[dreg:$0x4] =	wrdreg $0xC0  }
0xaf: {  	_ =	task [dreg:s11], $0x5FFFF  }
0xb0: {  	[dreg:$0x1] =	wrdreg $0xFFFFFFFF  }
0xb1: {  	[dreg:$0x0] =	wrdreg $0x60  }
0xb2: {  	[dreg:$0x2] =	wrdreg s24  }
0xb3: {  	[dreg:$0x3] =	wrdreg s2  }
0xb4: {  	[dreg:$0x4] =	wrdreg s4  }
0xb5: {  	[dreg:$0x5] =	wrdreg s5  }
0xb6: {  	[dreg:$0x6] =	wrdreg s18  }
0xb7: {  	[dreg:$0x7] =	wrdreg s6  }
0xb8: {  	[dreg:$0x8] =	wrdreg $0x9  }
0xb9: {  	_ =	task.clear_ibuf [dreg:s11], $0x9FFFF;
	_ =	strace $0x90000046  }
0xba: {  	s29 =	simm.s32 $0x9;
	_ =	strace $0x80000048  }
0xbb: {  	_ =	swait.ge [sflag:s29], $0x1  }
0xbc: {  	[sflag:s29] =	ssyncadd.s32 $0xFFFFFFFF  }
0xbd: {  	_ =	strace $0x90000048  }
0xbe: {  	_ =	sfence  }
0xbf: {  	s30 =	sld [smem:$0x0];
	_ =	sdelay $0x2  }
0xc0: {  	s31 =	sshll.u32 s1, $0xD;
	s1 =	sshrl.u32 s1, $0x2  }
0xc1: {  	s3 =	sand.u32 $0x4000, s31;
	s1 =	sadd.s32 s1, s30  }
0xc2: {  	s0 =	sor.u32 s3, s0;
	s1 =	sshll.u32 s1, $0x11  }
0xc3: {  	s0 =	sor.u32 s1, s0  }
0xc4: {  	s0 =	sadd.s32 $0x8F2B, s0  }
0xc5: {  	[sflag:s0] =	ssyncadd.remote.s32 $0x1  }
0xc6: {  	_ =	sfence.sel $0xFFFF  }
0xc7: {  	[dreg:$0x0] =	wrdreg $0xFFFFFFFF;
	(pc) =	sbr.abs _section_cstart, $3  }
0xc8: {  	[dreg:$0x1] =	wrdreg $0xFFFFFFFF  }
0xc9: {  	_ =	task.clear_ibuf [dreg:s11], $0x2FFFF;
	_ =	strace $0x9FFFFFFF  }
0xca: {  	(tm) =	ssettm $0x7FFFFFFF  }
0xcb: {  	_ =	shalt  }
tec
execute0_lowered:
.L_overlay_start_1:
0x0: {  	(tag) =	ssettag $0x1  }
0x1: {  	s0 =	rddreg [dreg:$0x0]  }
0x2: {  	s6 =	rddreg [dreg:$0x4]  }
0x3: {  	s1 =	srdreg.scid;
	s2 =	stileid.u32  }
0x4: {  	s3 =	simm.s32 $0x0;
	s1 =	sand.u32 $0x1, s1;
	s2 =	sshll.u32 s2, $0x1  }
0x5: {  	[smem:$0x7FF] =	sst s3;
	s2 =	sor.u32 s1, s2  }
0x6: {  	_ =	strace $0x80000047;
	s23 =	sshll.u32 s2, $0x7;
	s4 =	sshll.u32 s2, $0x5  }
0x7: {  	s5 =	sshll.u32 s2, $0xF;
	s25 =	sshll.u32 s2, $0x8;
	s3 =	sadd.s32 s23, s0  }
0x8: {  	s4 =	sadd.s32 s4, s0;
	s0 =	sadd.s32 $0x1A00, s0;
	[dreg:$0x8] =	wrdreg s25  }
0x9: {  	s26 =	sadd.s32 s6, s5;
	[dreg:$0x7] =	wrdreg s0  }
0xa: {  	s30 =	sor.u32 $0x40, s25;
	[dreg:$0x9] =	wrdreg s26  }
0xb: {  	s31 =	sor.u32 $0x50, s25;
	[dreg:$0xe] =	wrdreg s30  }
0xc: {  	s3 =	sadd.s32 $0xA00, s3;
	[dreg:$0xf] =	wrdreg s31  }
0xd: {  	s28 =	sadd.s32 $0x600, s4;
	[dreg:$0xa] =	wrdreg s3  }
0xe: {  	s1 =	ssub.s32 $0x2, s1;
	s29 =	sadd.s32 $0x800, s26;
	[dreg:$0xb] =	wrdreg s28  }
0xf: {  	s24 =	sshrl.u32 s1, $0x1;
	s2 =	sadd.s32 $0x1000, s26;
	[dreg:$0xc] =	wrdreg s29  }
0x10: {  	s0 =	ssub.s32 s1, s24;
	s1 =	sor.u32 $0x60, s25;
	[dreg:$0xd] =	wrdreg s2  }
0x11: {  	[dreg:$0x10] =	wrdreg s1;
	s0 =	smax.u32 s0, $0x1  }
0x12: {  	s24 =	simm.s32 $0x13500;
	s2 =	simm.s32 $0x0;
	[dreg:$0x11] =	wrdreg s0  }
.LBB2_1:
0x13: {  	[dreg:$0x12] =	wrdreg s2  }
0x14: {  	s0 =	rddreg [dreg:$0x1]  }
0x15: {  	s1 =	simm.s32 $0x0;
	s15 =	simm.s32 $0x10000;
	s16 =	simm.s32 $0x9  }
0x16: {  	[tilespmem:s15], [sflag:$0x9] =	stream.linear.gather [hbm4b:s0+s1], $0x3000, $0x38;
	[tilespmem:$0x13A80] =	vst v63  }
0x17: {  	_ =	swait.ge [sflag:s16], $0x3000  }
0x18: {  	[sflag:s16] =	ssyncset.done $0x0  }
0x19: {  	s3 =	simm.s32 $0x13000;
	s17 =	rddreg [dreg:$0x7];
	[sflag:s16] =	ssyncadd.s32 $0xFFFFD000  }
0x1a: {  	[tilespmem:s3], [sflag:$0x9] =	stream.linear.gather [hbm4b:s17+s1], $0x300, $0x38;
	[tilespmem:$0x13A80] =	vst v63  }
0x1b: {  	_ =	swait.ge [sflag:s16], $0x300  }
0x1c: {  	[sflag:s16] =	ssyncset.done $0x0  }
0x1d: {  	[sflag:s16] =	ssyncadd.s32 $0xFFFFFD00  }
0x1e: {  	s19 =	simm.s32 $0x13300;
	s18 =	rddreg [dreg:$0x2]  }
0x1f: {  	[tilespmem:s19], [sflag:$0x9] =	stream.linear.gather [hbm4b:s18+s1], $0x100, $0x38;
	[tilespmem:$0x13A80] =	vst v63  }
0x20: {  	_ =	swait.ge [sflag:s16], $0x100  }
0x21: {  	[sflag:s16] =	ssyncset.done $0x0  }
0x22: {  	[sflag:s16] =	ssyncadd.s32 $0xFFFFFF00  }
0x23: {  	s21 =	simm.s32 $0x13400;
	s20 =	rddreg [dreg:$0x3]  }
0x24: {  	[tilespmem:s21], [sflag:$0x9] =	stream.linear.gather [hbm4b:s20+s1], $0x100, $0x38;
	[tilespmem:$0x13A80] =	vst v63  }
0x25: {  	_ =	swait.ge [sflag:s16], $0x100  }
0x26: {  	[sflag:s16] =	ssyncset.done $0x0  }
0x27: {  	s22 =	rddreg [dreg:$0xa];
	[sflag:s16] =	ssyncadd.s32 $0xFFFFFF00  }
0x28: {  	[tilespmem:s24], [sflag:$0x9] =	stream.linear.gather [hbm4b:s22+s1], $0x400, $0x38;
	[tilespmem:$0x13A80] =	vst v63  }
0x29: {  	_ =	swait.ge [sflag:s16], $0x400  }
0x2a: {  	[sflag:s16] =	ssyncset.done $0x0  }
0x2b: {  	s25 =	simm.s32 $0x13900;
	s23 =	rddreg [dreg:$0xb];
	[sflag:s16] =	ssyncadd.s32 $0xFFFFFC00  }
0x2c: {  	[tilespmem:s25], [sflag:$0x9] =	stream.linear.gather [hbm4b:s23+s1], $0x100, $0x38;
	[tilespmem:$0x13A80] =	vst v63  }
0x2d: {  	_ =	swait.ge [sflag:s16], $0x100  }
0x2e: {  	[sflag:s16] =	ssyncset.done $0x0  }
0x2f: {  	s26 =	rddreg [dreg:$0x9];
	[sflag:s16] =	ssyncadd.s32 $0xFFFFFF00  }
0x30: {  	[tilespmem:s1], [sflag:$0x1] =	stream.linear.gather [hbm4b:s26+s1], $0x4000, $0x38;
	[tilespmem:$0x13A80] =	vst v63  }
0x31: {  	s29 =	simm.s32 $0x4000;
	s28 =	rddreg [dreg:$0xc]  }
0x32: {  	[tilespmem:s29], [sflag:$0x2] =	stream.linear.gather [hbm4b:s28+s1], $0x4000, $0x38;
	[tilespmem:$0x13A80] =	vst v63  }
0x33: {  	s31 =	simm.s32 $0x8000;
	s30 =	rddreg [dreg:$0xd]  }
0x34: {  	[tilespmem:s31], [sflag:$0x3] =	stream.linear.gather [hbm4b:s30+s1], $0x4000, $0x38;
	[tilespmem:$0x13A80] =	vst v63  }
0x35: {  	s1 =	simm.s32 $0x0  }
.LBB2_2:
0x36: {  	s0 =	simm.s32 $0x1  }
0x37: {  	_ =	swait.ge [sflag:s0], $0x4000  }
0x38: {  	s23 =	sshll.u32 s1, $0x6;
	s8 =	simm.s32 $0x0;
	[sflag:s0] =	ssyncset.done $0x0  }
0x39: {  	s11 =	simm.s32 $0x0;
	[dreg:$0x13] =	wrdreg s1;
	[sflag:s0] =	ssyncadd.s32 $0xFFFFC000  }
.LBB2_3:
0x3a: {  	s0 =	sor.u32 s23, s11  }
0x3b: {  	v0 =	vld [tilespmem:s0+$0x13900];
	_ =	sdelay $0x2  }
0x3c: {  	v1 =	vld [tilespmem:s0+$0x13901];
	_ =	sdelay $0x1  }
0x3d: {  	(v2sf) =	vpush v0, $0x0;
	_ =	sdelay $0x2  }
0x3e: {  	(v2sf) =	vpush v1, $0x0;
	_ =	sdelay $0x6  }
0x3f: {  	s0 =	sshll.u32 s0, $0x2  }
0x40: {  	v0 =	vmov s0  }
0x41: {  	v1 =	vor.u32 $0x1, v0  }
0x42: {  	s0 =	sor.u32 $0x4, s0;
	v3 =	vor.u32 $0x2, v0  }
0x43: {  	s5 =	sshll.u32 s11, $0xA;
	s6 =	sand.u32 $0x40, s8;
	s7 =	sand.u32 $0xC00, s8;
	v4 =	vmov s0;
	v0 =	vor.u32 $0x3, v0  }
0x44: {  	s29 =	simm.s32 $0x200;
	s30 =	simm.s32 $0x40;
	v5 =	vor.u32 $0x1, v4;
	s4 =	spop (v2sf)  }
0x45: {  	s13 =	sand.u32 $0x2000, s5;
	v6 =	vor.u32 $0x2, v4;
	s1 =	sshll.u32 s4, $0x9;
	s0 =	sshll.u32 s4, $0x7  }
0x46: {  	s10 =	sor.u32 $0x30, s6;
	v2 =	vld.idx.msk [tilespmem:v1+s24+$0x0], $0xffff;
	s1 =	sand.u32 $0xFFFFF000, s1;
	s0 =	sand.u32 $0x380, s0  }
0x47: {  	s16 =	sor.u32 $0x20, s6;
	v3 =	vld.idx.msk [tilespmem:v3+s24+$0x0], $0xffff;
	s2 =	spop (v2sf);
	s0 =	sor.u32 s0, s1  }
0x48: {  	v1 =	vor.u32 $0x3, v4;
	v0 =	vld.idx.msk [tilespmem:v0+s24+$0x0], $0xffff;
	s4 =	sshll.u32 s11, $0x7;
	s3 =	sshll.u32 s2, $0x9;
	s1 =	sadd.s32 $0x10000, s0  }
0x49: {  	v4 =	vld.idx.msk [tilespmem:v5+s24+$0x0], $0xffff;
	s2 =	sshll.u32 s2, $0x7;
	s12 =	sand.u32 $0x300, s4;
	s5 =	sadd.s32 s7, s1  }
0x4a: {  	v5 =	vld.idx.msk [tilespmem:v6+s24+$0x0], $0xffff;
	s3 =	sand.u32 $0xFFFFF000, s3;
	s2 =	sand.u32 $0x380, s2;
	s14 =	sadd.s32 s10, s5  }
0x4b: {  	s2 =	sor.u32 s2, s3;
	s3 =	sor.u32 s12, s13;
	s15 =	sadd.s32 s6, s5;
	v6 =	vld [tilespmem:s14+$0x0]  }
0x4c: {  	s2 =	sadd.s32 $0x10000, s2;
	s9 =	sadd.s32 s7, s3;
	s14 =	sor.u32 $0x10, s6;
	v7 =	vld [tilespmem:s15+$0x0]  }
0x4d: {  	v1 =	vld.idx.msk [tilespmem:v1+s24+$0x0], $0xffff;
	s4 =	sadd.s32 s7, s2;
	s18 =	sadd.s32 s10, s9;
	s17 =	sadd.s32 s14, s5  }
0x4e: {  	s19 =	sadd.s32 s10, s4;
	s15 =	sadd.s32 $0x80, s9;
	s5 =	sadd.s32 s16, s5;
	v8 =	vld [tilespmem:s17+$0x0]  }
0x4f: {  	s26 =	sadd.s32 s10, s15;
	s10 =	sand.u32 $0x40, s30;
	v9 =	vld [tilespmem:s5+$0x0];
	s5 =	sand.u32 $0xC00, s29  }
0x50: {  	s20 =	sadd.s32 s6, s9;
	s7 =	sor.u32 $0x20, s10;
	s31 =	sadd.s32 s5, s1;
	[tilespmem:s18+$0x0] =	vst.add.f32.msk $0xffff, v6  }
0x51: {  	s25 =	sadd.s32 s16, s9;
	s21 =	sadd.s32 s14, s9;
	s9 =	sadd.s32 s7, s31;
	[tilespmem:s20+$0x0] =	vst.add.f32.msk $0xffff, v7  }
0x52: {  	v11 =	vld [tilespmem:s9+$0x0]  }
0x53: {  	s22 =	sadd.s32 s6, s4;
	v6 =	vld [tilespmem:s19+$0x0]  }
0x54: {  	v7 =	vld [tilespmem:s22+$0x0]  }
0x55: {  	[tilespmem:s21+$0x0] =	vst.add.f32.msk $0xffff, v8  }
0x56: {  	s0 =	sadd.s32 s6, s15;
	s6 =	sadd.s32 s10, s31;
	s19 =	sor.u32 $0x10, s10;
	[tilespmem:s25+$0x0] =	vst.add.f32.msk $0xffff, v9  }
0x57: {  	s20 =	sadd.s32 s19, s31;
	v9 =	vld [tilespmem:s6+$0x0]  }
0x58: {  	s17 =	sor.u32 $0x30, s10;
	v10 =	vld [tilespmem:s20+$0x0]  }
0x59: {  	s18 =	sadd.s32 s17, s31;
	[tilespmem:s0+$0x0] =	vst.add.f32.msk $0xffff, v7  }
0x5a: {  	s28 =	sadd.s32 s14, s4;
	s20 =	sadd.s32 s5, s3;
	v7 =	vld [tilespmem:s18+$0x0]  }
0x5b: {  	v8 =	vld [tilespmem:s28+$0x0];
	s28 =	sadd.s32 s7, s20  }
0x5c: {  	[tilespmem:s28+$0x0] =	vst.add.f32.msk $0xffff, v11  }
0x5d: {  	s4 =	sadd.s32 s16, s4;
	[tilespmem:s26+$0x0] =	vst.add.f32.msk $0xffff, v6  }
0x5e: {  	s5 =	sadd.s32 s5, s2;
	s21 =	sadd.s32 s17, s20;
	v6 =	vld [tilespmem:s4+$0x0]  }
0x5f: {  	s22 =	sadd.s32 s17, s5;
	[tilespmem:s21+$0x0] =	vst.add.f32.msk $0xffff, v7  }
0x60: {  	s25 =	sadd.s32 s10, s20;
	v7 =	vld [tilespmem:s22+$0x0]  }
0x61: {  	s14 =	sadd.s32 s14, s15;
	[tilespmem:s25+$0x0] =	vst.add.f32.msk $0xffff, v9  }
0x62: {  	s26 =	sadd.s32 s19, s20;
	[tilespmem:s14+$0x0] =	vst.add.f32.msk $0xffff, v8  }
0x63: {  	s29 =	sadd.s32 s10, s5;
	s30 =	sadd.s32 s19, s5;
	[tilespmem:s26+$0x0] =	vst.add.f32.msk $0xffff, v10;
	s21 =	sadd.s32 $0x80, s20  }
0x64: {  	s4 =	sadd.s32 s16, s15;
	s0 =	simm.s32 $0x4;
	v8 =	vld [tilespmem:s29+$0x0];
	s31 =	sadd.s32 s17, s21  }
0x65: {  	s16 =	sadd.s32 s7, s5;
	s5 =	simm.s32 $0x400;
	s17 =	sadd.s32 s10, s21;
	[tilespmem:s31+$0x0] =	vst.add.f32.msk $0xffff, v7  }
0x66: {  	s14 =	sadd.s32 s19, s21;
	s15 =	sadd.s32 s7, s21;
	s10 =	simm.s32 $0x80;
	v7 =	vld [tilespmem:s30+$0x0]  }
.LBB2_4:
0x67: {  	s18 =	sand.u32 $0x40, s10;
	s19 =	sand.u32 $0xC00, s5;
	s0 =	sadd.s32 $0x4, s0;
	v9 =	vld [tilespmem:s16+$0x0]  }
0x68: {  	s16 =	sadd.s32 s19, s1;
	s20 =	sor.u32 $0x30, s18;
	p0 =	slt.u32 s0, $0x1C;
	[tilespmem:s4+$0x0] =	vst.add.f32.msk $0xffff, v6  }
0x69: {  	s21 =	sor.u32 $0x10, s18;
	s25 =	sor.u32 $0x20, s18;
	s4 =	sadd.s32 s20, s16;
	[tilespmem:s17+$0x0] =	vst.add.f32.msk $0xffff, v8  }
0x6a: {  	s17 =	sadd.s32 s18, s16;
	s26 =	sadd.s32 s21, s16;
	s16 =	sadd.s32 s25, s16;
	v8 =	vld [tilespmem:s4+$0x0]  }
0x6b: {  	s4 =	smov.u32 s15;
	v10 =	vld [tilespmem:s17+$0x0]  }
0x6c: {  	v11 =	vld [tilespmem:s26+$0x0];
	v6 =	vmov v9  }
0x6d: {  	s15 =	sadd.s32 s19, s3;
	v9 =	vld [tilespmem:s16+$0x0]  }
0x6e: {  	s17 =	sadd.s32 s18, s15;
	s16 =	sadd.s32 s19, s2;
	s19 =	sadd.s32 s20, s15;
	[tilespmem:s14+$0x0] =	vst.add.f32.msk $0xffff, v7  }
0x6f: {  	s26 =	sadd.s32 s25, s15;
	s14 =	sadd.s32 s21, s15;
	[tilespmem:s19+$0x0] =	vst.add.f32.msk $0xffff, v8;
	s19 =	sadd.s32 s20, s16  }
0x70: {  	s28 =	sadd.s32 s18, s16;
	s29 =	sadd.s32 s21, s16;
	s16 =	sadd.s32 s25, s16;
	v7 =	vld [tilespmem:s19+$0x0]  }
0x71: {  	[tilespmem:s17+$0x0] =	vst.add.f32.msk $0xffff, v10  }
.Ltmp0:
0x72: {  	[tilespmem:s14+$0x0] =	vst.add.f32.msk $0xffff, v11;
	(pc) =	sbr.rel @p0 .LBB2_4-.Ltmp0, $4  }
0x73: {  	s15 =	sadd.s32 $0x80, s15;
	[tilespmem:s26+$0x0] =	vst.add.f32.msk $0xffff, v9  }
0x74: {  	s17 =	sadd.s32 s18, s15;
	s18 =	sadd.s32 s20, s15;
	s14 =	sadd.s32 s21, s15;
	v8 =	vld [tilespmem:s28+$0x0]  }
0x75: {  	s15 =	sadd.s32 s25, s15;
	[tilespmem:s18+$0x0] =	vst.add.f32.msk $0xffff, v7  }
0x76: {  	s5 =	sadd.s32 $0x200, s5;
	s10 =	sadd.s32 $0x40, s10;
	v7 =	vld [tilespmem:s29+$0x0]  }
0x77: {  	v9 =	vld [tilespmem:s16+$0x0];
	_ =	sdelay $0x1  }
0x78: {  	[tilespmem:s4+$0x0] =	vst.add.f32.msk $0xffff, v6  }
0x79: {  	[tilespmem:s17+$0x0] =	vst.add.f32.msk $0xffff, v8  }
0x7a: {  	[tilespmem:s14+$0x0] =	vst.add.f32.msk $0xffff, v7  }
0x7b: {  	s31 =	simm.s32 $0x13130;
	s10 =	simm.s32 $0x0;
	[tilespmem:s15+$0x0] =	vst.add.f32.msk $0xffff, v9  }
0x7c: {  	s0 =	sand.u32 $0xC0, s10;
	v6 =	vld [tilespmem:s31+$0xFFFFFED0]  }
0x7d: {  	v7 =	vld [tilespmem:s0+$0x13100]  }
0x7e: {  	v8 =	vld [tilespmem:s31+$0xFFFFFEE0]  }
0x7f: {  	v9 =	vld [tilespmem:s31+$0xFFFFFFE0]  }
0x80: {  	s3 =	simm.s32 $0x13320;
	s5 =	simm.s32 $0x210;
	v10 =	vld [tilespmem:s31+$0xFFFFFEF0]  }
0x81: {  	s1 =	simm.s32 $0x220;
	s2 =	simm.s32 $0x230;
	s21 =	simm.s32 $0x0;
	v11 =	vld [tilespmem:s3+$0xFFFFFFE0]  }
0x82: {  	s18 =	simm.s32 $0x330;
	s7 =	simm.s32 $0x1080;
	s9 =	simm.s32 $0x1100;
	v15 =	vld [tilespmem:s31+$0xFFFFFF00];
	v12 =	vmul.f32 v6, v2;
	v13 =	vmul.f32 v7, v3  }
0x83: {  	s29 =	simm.s32 $0x1180;
	s4 =	sand.u32 $0x60, s1;
	s1 =	simm.s32 $0x13430;
	v14 =	vld [tilespmem:s31+$0xFFFFFFF0];
	v6 =	vmul.f32 v6, v4;
	v7 =	vmul.f32 v7, v5  }
0x84: {  	s6 =	sand.u32 $0x400, s10;
	s22 =	sand.u32 $0x1400, s7;
	s25 =	sand.u32 $0x40, s10;
	v16 =	vld [tilespmem:s31+$0x0];
	v60 =	vmul.f32 v8, v2;
	v17 =	vmul.f32 v9, v3  }
0x85: {  	s19 =	sadd.s32 s6, s13;
	s17 =	sand.u32 $0x1400, s29;
	s16 =	sadd.s32 s22, s13;
	v9 =	vmul.f32 v9, v5;
	v18 =	vmul.f32 v10, v2;
	v12 =	vadd.f32 v13, v12  }
0x86: {  	s20 =	sadd.s32 $0x1000, s19;
	s30 =	sadd.s32 s12, s16;
	s17 =	sadd.s32 s17, s13;
	v10 =	vmul.f32 v10, v4;
	v6 =	vadd.f32 v7, v6;
	v7 =	vmul.f32 v8, v4;
	v8 =	vld [tilespmem:s3+$0xFFFFFFF0]  }
0x87: {  	s14 =	sor.u32 $0x80, s12;
	s26 =	sadd.s32 s12, s20;
	s15 =	sand.u32 $0x1400, s9;
	v61 =	vmul.f32 v15, v2;
	v15 =	vmul.f32 v15, v4;
	v12 =	vadd.f32 v12, v11  }
0x88: {  	s26 =	sadd.s32 s25, s26;
	s20 =	sadd.s32 s14, s20;
	s16 =	sadd.s32 s14, s16;
	v19 =	vld [tilespmem:s3+$0x0];
	v6 =	vadd.f32 v6, v11;
	v11 =	vmul.f32 v14, v3;
	v14 =	vmul.f32 v14, v5  }
0x89: {  	s29 =	sadd.s32 s14, s17;
	s0 =	sand.u32 $0x50, s5;
	s5 =	sand.u32 $0x70, s2;
	v20 =	vld [tilespmem:s3+$0x10];
	v13 =	vadd.f32 v17, v60;
	v7 =	vadd.f32 v9, v7;
	v9 =	vmul.f32 v16, v3  }
0x8a: {  	s2 =	simm.s32 $0x13230;
	s15 =	sadd.s32 s15, s13;
	s20 =	sadd.s32 s25, s20;
	v16 =	vmul.f32 v16, v5;
	v11 =	vadd.f32 v11, v18;
	v10 =	vadd.f32 v14, v10  }
0x8b: {  	s31 =	sadd.s32 s12, s17;
	s28 =	sadd.s32 s12, s15;
	s15 =	sadd.s32 s14, s15;
	[tilespmem:s26+$0x0] =	vst.add.f32.msk $0xffff, v12;
	v62 =	vadd.f32 v9, v61;
	v13 =	vadd.f32 v13, v8  }
0x8c: {  	s25 =	sadd.s32 s0, s30;
	s0 =	sadd.s32 s0, s16;
	s16 =	sadd.s32 s4, s28;
	[tilespmem:s20+$0x0] =	vst.add.f32.msk $0xffff, v6;
	v6 =	vadd.f32 v16, v15;
	v63 =	vadd.f32 v7, v8  }
0x8d: {  	s17 =	sadd.s32 s4, s15;
	s15 =	sadd.s32 s5, s29;
	s28 =	simm.s32 $0x0;
	v9 =	vadd.f32 v11, v19;
	v7 =	vadd.f32 v10, v19;
	[tilespmem:s25+$0x0] =	vst.add.f32.msk $0xffff, v13  }
0x8e: {  	s26 =	simm.s32 $0x40;
	s20 =	sadd.s32 s5, s31;
	v8 =	vadd.f32 v62, v20;
	v6 =	vadd.f32 v6, v20;
	s25 =	simm.s32 $0x13170;
	[tilespmem:s0+$0x0] =	vst.add.f32.msk $0xffff, v63  }
.LBB2_6:
0x8f: {  	v10 =	vld [tilespmem:s25+$0xFFFFFED0];
	s0 =	sand.u32 $0xC0, s26;
	s4 =	sadd.s32 $0x210, s26;
	s5 =	sadd.s32 $0x220, s26  }
0x90: {  	s21 =	sadd.s32 $0x4, s21;
	v11 =	vld [tilespmem:s0+$0x13100];
	s4 =	sand.u32 $0x50, s4;
	s0 =	sadd.s32 $0x230, s26  }
0x91: {  	s5 =	sand.u32 $0x60, s5;
	p0 =	slt.u32 s21, $0xC;
	v12 =	vld [tilespmem:s25+$0xFFFFFEE0];
	s0 =	sand.u32 $0x70, s0  }
0x92: {  	v13 =	vld [tilespmem:s25+$0xFFFFFFE0]  }
0x93: {  	s3 =	sadd.s32 $0x40, s3;
	v14 =	vld [tilespmem:s25+$0xFFFFFEF0]  }
0x94: {  	v15 =	vld [tilespmem:s3+$0xFFFFFFE0]  }
0x95: {  	s28 =	sadd.s32 $0x200, s28;
	s7 =	sand.u32 $0x40, s26;
	v16 =	vmul.f32 v10, v2;
	v17 =	vmul.f32 v11, v3;
	v18 =	vld [tilespmem:s25+$0xFFFFFFF0]  }
0x96: {  	s29 =	sand.u32 $0x400, s28;
	s30 =	sadd.s32 $0x1080, s28;
	s31 =	sadd.s32 $0x1100, s28;
	v10 =	vmul.f32 v10, v4;
	v11 =	vmul.f32 v11, v5;
	v19 =	vld [tilespmem:s25+$0xFFFFFF00]  }
0x97: {  	s6 =	sadd.s32 $0x1180, s28;
	s29 =	sadd.s32 s29, s13;
	s30 =	sand.u32 $0x1400, s30;
	v16 =	vadd.f32 v17, v16;
	v17 =	vmul.f32 v12, v2;
	v20 =	vmul.f32 v13, v3;
	v21 =	vld [tilespmem:s25+$0x0]  }
0x98: {  	s31 =	sand.u32 $0x1400, s31;
	s6 =	sand.u32 $0x1400, s6;
	s29 =	sadd.s32 $0x1000, s29;
	v10 =	vadd.f32 v11, v10;
	v12 =	vmul.f32 v12, v4;
	v13 =	vmul.f32 v13, v5;
	v11 =	vld [tilespmem:s3+$0xFFFFFFF0]  }
0x99: {  	s30 =	sadd.s32 s30, s13;
	s31 =	sadd.s32 s31, s13;
	s9 =	sadd.s32 s12, s29;
	v23 =	vmul.f32 v14, v2;
	v14 =	vmul.f32 v14, v4;
	v16 =	vadd.f32 v16, v15;
	v22 =	vld [tilespmem:s3+$0x0]  }
0x9a: {  	s6 =	sadd.s32 s6, s13;
	s29 =	sadd.s32 s14, s29;
	s9 =	sadd.s32 s7, s9;
	v10 =	vadd.f32 v10, v15;
	v15 =	vmul.f32 v18, v3;
	v18 =	vmul.f32 v18, v5;
	v24 =	vld [tilespmem:s3+$0x10]  }
0x9b: {  	s7 =	sadd.s32 s7, s29;
	s29 =	sadd.s32 s12, s31;
	[tilespmem:s9+$0x0] =	vst.add.f32.msk $0xffff, v16;
	v16 =	vadd.f32 v20, v17;
	s9 =	sadd.s32 s12, s30;
	v17 =	vmul.f32 v19, v2;
	v19 =	vmul.f32 v19, v4  }
0x9c: {  	[tilespmem:s7+$0x0] =	vst.add.f32.msk $0xffff, v10;
	v10 =	vadd.f32 v13, v12;
	s7 =	sadd.s32 s14, s30;
	s30 =	sadd.s32 s14, s31;
	v12 =	vmul.f32 v21, v3;
	v13 =	vmul.f32 v21, v5;
	s9 =	sadd.s32 s4, s9  }
0x9d: {  	v15 =	vadd.f32 v15, v23;
	v14 =	vadd.f32 v18, v14;
	s31 =	sadd.s32 s12, s6;
	s6 =	sadd.s32 s14, s6;
	[tilespmem:s16+$0x0] =	vst.add.f32.msk $0xffff, v9;
	s4 =	sadd.s32 s4, s7  }
.Ltmp1:
0x9e: {  	s16 =	sadd.s32 s5, s29;
	v12 =	vadd.f32 v12, v17;
	v13 =	vadd.f32 v13, v19;
	[tilespmem:s17+$0x0] =	vst.add.f32.msk $0xffff, v7;
	s17 =	sadd.s32 s5, s30;
	(pc) =	sbr.rel @p0 .LBB2_6-.Ltmp1, $4  }
0x9f: {  	v16 =	vadd.f32 v16, v11;
	v10 =	vadd.f32 v10, v11;
	s5 =	sadd.s32 s0, s6;
	[tilespmem:s20+$0x0] =	vst.add.f32.msk $0xffff, v8;
	s20 =	sadd.s32 s0, s31  }
0xa0: {  	v9 =	vadd.f32 v15, v22;
	v7 =	vadd.f32 v14, v22;
	[tilespmem:s15+$0x0] =	vst.add.f32.msk $0xffff, v6;
	s15 =	smov.u32 s5  }
0xa1: {  	v8 =	vadd.f32 v12, v24;
	v6 =	vadd.f32 v13, v24;
	[tilespmem:s9+$0x0] =	vst.add.f32.msk $0xffff, v16  }
0xa2: {  	s26 =	sadd.s32 $0x40, s26;
	s25 =	sadd.s32 $0x40, s25;
	[tilespmem:s4+$0x0] =	vst.add.f32.msk $0xffff, v10  }
0xa3: {  	[tilespmem:s16+$0x0] =	vst.add.f32.msk $0xffff, v9  }
0xa4: {  	[tilespmem:s20+$0x0] =	vst.add.f32.msk $0xffff, v8  }
0xa5: {  	s0 =	simm.s32 $0x0;
	[tilespmem:s17+$0x0] =	vst.add.f32.msk $0xffff, v7  }
0xa6: {  	[tilespmem:s15+$0x0] =	vst.add.f32.msk $0xffff, v6;
	s3 =	sand.u32 $0xC0, s0  }
0xa7: {  	v2 =	vld [tilespmem:s3+$0x13200];
	_ =	sdelay $0x1  }
0xa8: {  	s4 =	simm.s32 $0x310;
	s5 =	simm.s32 $0x320;
	v6 =	vld [tilespmem:s3+$0x13400]  }
0xa9: {  	s16 =	simm.s32 $0x13270;
	s29 =	simm.s32 $0x1880;
	s30 =	simm.s32 $0x1900;
	v7 =	vld [tilespmem:s2+$0xFFFFFFE0]  }
0xaa: {  	s6 =	simm.s32 $0x1980;
	s7 =	sadd.s32 $0x1800, s19;
	s20 =	sand.u32 $0x50, s4;
	v3 =	vld [tilespmem:s1+$0xFFFFFFE0]  }
0xab: {  	s15 =	simm.s32 $0x0;
	s17 =	sand.u32 $0x60, s5;
	s4 =	sand.u32 $0x1C00, s29;
	v5 =	vld [tilespmem:s2+$0xFFFFFFF0];
	v8 =	vmul.f32 v2, v0  }
0xac: {  	s5 =	sand.u32 $0x1C00, s30;
	s6 =	sand.u32 $0x1C00, s6;
	s0 =	sand.u32 $0x40, s0;
	v4 =	vld [tilespmem:s1+$0xFFFFFFF0];
	v9 =	vmul.f32 v2, v1  }
0xad: {  	s9 =	sadd.s32 s12, s7;
	s7 =	sadd.s32 s14, s7;
	s3 =	sand.u32 $0x70, s18;
	v2 =	vld [tilespmem:s1+$0x0];
	v8 =	vadd.f32 v8, v6  }
0xae: {  	s4 =	sadd.s32 s4, s13;
	s9 =	sadd.s32 s0, s9;
	s21 =	sadd.s32 s5, s13;
	v11 =	vmul.f32 v7, v0;
	v10 =	vadd.f32 v9, v6;
	v6 =	vld [tilespmem:s2+$0x0]  }
0xaf: {  	s31 =	sadd.s32 s0, s7;
	s0 =	sadd.s32 s6, s13;
	s5 =	sadd.s32 s12, s4;
	v9 =	vmul.f32 v7, v1;
	[tilespmem:s9+$0x0] =	vst.add.f32.msk $0xffff, v8  }
0xb0: {  	s19 =	sadd.s32 s14, s4;
	s4 =	sadd.s32 s12, s21;
	v7 =	vadd.f32 v11, v3;
	s2 =	sadd.s32 s14, s21;
	v8 =	vmul.f32 v5, v0;
	[tilespmem:s31+$0x0] =	vst.add.f32.msk $0xffff, v10  }
.LBB2_8:
0xb1: {  	v10 =	vld [tilespmem:s16+$0xFFFFFFE0];
	s5 =	sadd.s32 s20, s5;
	v3 =	vadd.f32 v9, v3;
	v5 =	vmul.f32 v5, v1;
	s6 =	sadd.s32 s12, s0;
	s0 =	sadd.s32 s14, s0  }
0xb2: {  	s4 =	sadd.s32 s17, s4;
	s2 =	sadd.s32 s17, s2;
	[tilespmem:s5+$0x0] =	vst.add.f32.msk $0xffff, v7;
	s5 =	sadd.s32 s20, s19;
	v7 =	vadd.f32 v8, v4  }
0xb3: {  	s18 =	sadd.s32 $0x40, s18;
	s0 =	sadd.s32 s3, s0;
	[tilespmem:s5+$0x0] =	vst.add.f32.msk $0xffff, v3;
	v3 =	vadd.f32 v5, v4;
	v4 =	vmul.f32 v6, v0;
	s5 =	sadd.s32 s3, s6  }
0xb4: {  	s7 =	sadd.s32 $0xFFFFFFF0, s18;
	s6 =	sadd.s32 $0xFFFFFCD0, s18;
	s3 =	sadd.s32 $0xFFFFFFE0, s18;
	[tilespmem:s4+$0x0] =	vst.add.f32.msk $0xffff, v7  }
0xb5: {  	s15 =	sadd.s32 $0x4, s15;
	s4 =	sand.u32 $0xC0, s6;
	s20 =	sand.u32 $0x50, s3;
	[tilespmem:s2+$0x0] =	vst.add.f32.msk $0xffff, v3;
	v3 =	vadd.f32 v4, v2;
	v4 =	vmul.f32 v6, v1  }
0xb6: {  	p0 =	slt.u32 s15, $0xC;
	s17 =	sand.u32 $0x60, s7;
	s3 =	sand.u32 $0x70, s18;
	v6 =	vld [tilespmem:s4+$0x13200]  }
0xb7: {  	s2 =	smov.u32 s16;
	[tilespmem:s5+$0x0] =	vst.add.f32.msk $0xffff, v3;
	v2 =	vadd.f32 v4, v2  }
0xb8: {  	s10 =	sadd.s32 $0x200, s10;
	v7 =	vld [tilespmem:s4+$0x13400]  }
0xb9: {  	s1 =	sadd.s32 $0x40, s1;
	s7 =	sadd.s32 $0x1980, s10;
	s16 =	sadd.s32 $0x40, s16;
	[tilespmem:s0+$0x0] =	vst.add.f32.msk $0xffff, v2  }
0xba: {  	s5 =	sadd.s32 $0x1900, s10;
	s4 =	sadd.s32 $0x1880, s10;
	s0 =	sand.u32 $0x400, s10;
	v3 =	vld [tilespmem:s1+$0xFFFFFFE0]  }
0xbb: {  	s7 =	sand.u32 $0x1C00, s7;
	s4 =	sand.u32 $0x1C00, s4;
	s0 =	sadd.s32 s0, s13;
	v2 =	vmul.f32 v6, v0;
	v5 =	vld [tilespmem:s2+$0xFFFFFFF0]  }
.Ltmp2:
0xbc: {  	s5 =	sand.u32 $0x1C00, s5;
	s0 =	sadd.s32 $0x1800, s0;
	v6 =	vmul.f32 v6, v1;
	v4 =	vld [tilespmem:s1+$0xFFFFFFF0];
	(pc) =	sbr.rel @p0 .LBB2_8-.Ltmp2, $4  }
0xbd: {  	s6 =	sand.u32 $0x40, s6;
	s4 =	sadd.s32 s4, s13;
	s9 =	sadd.s32 s12, s0;
	v8 =	vadd.f32 v2, v7;
	v2 =	vld [tilespmem:s1+$0x0]  }
0xbe: {  	v11 =	vmul.f32 v10, v0;
	s21 =	sadd.s32 s5, s13;
	s0 =	sadd.s32 s14, s0;
	s9 =	sadd.s32 s6, s9;
	v7 =	vadd.f32 v6, v7;
	v6 =	vld [tilespmem:s2+$0x0]  }
0xbf: {  	v9 =	vmul.f32 v10, v1;
	s5 =	sadd.s32 s12, s4;
	s2 =	sadd.s32 s6, s0;
	s0 =	sadd.s32 s7, s13;
	[tilespmem:s9+$0x0] =	vst.add.f32.msk $0xffff, v8  }
0xc0: {  	s19 =	sadd.s32 s14, s4;
	s4 =	sadd.s32 s12, s21;
	[tilespmem:s2+$0x0] =	vst.add.f32.msk $0xffff, v7;
	v7 =	vadd.f32 v11, v3;
	v8 =	vmul.f32 v5, v0;
	s2 =	sadd.s32 s14, s21  }
0xc1: {  	_ = 	snop  }
0xc2: {  	s1 =	sadd.s32 s20, s5;
	v3 =	vadd.f32 v9, v3;
	v5 =	vmul.f32 v5, v1  }
0xc3: {  	s28 =	sadd.s32 s20, s19;
	p0 =	slt.u32 s11, $0xE;
	[tilespmem:s1+$0x0] =	vst.add.f32.msk $0xffff, v7;
	v61 =	vadd.f32 v8, v4;
	v0 =	vmul.f32 v6, v0  }
.Ltmp3:
0xc4: {  	s4 =	sadd.s32 s17, s4;
	[tilespmem:s28+$0x0] =	vst.add.f32.msk $0xffff, v3;
	v62 =	vadd.f32 v5, v4;
	v63 =	vmul.f32 v6, v1;
	(pc) =	sbr.rel @p0 .LBB2_3-.Ltmp3, $4  }
0xc5: {  	s29 =	sadd.s32 s12, s0;
	s2 =	sadd.s32 s17, s2;
	[tilespmem:s4+$0x0] =	vst.add.f32.msk $0xffff, v61;
	v0 =	vadd.f32 v0, v2  }
0xc6: {  	s30 =	sadd.s32 s14, s0;
	s1 =	sadd.s32 s3, s29;
	[tilespmem:s2+$0x0] =	vst.add.f32.msk $0xffff, v62;
	v1 =	vadd.f32 v63, v2  }
0xc7: {  	s31 =	sadd.s32 $0x2, s11;
	s0 =	sadd.s32 s3, s30;
	[tilespmem:s1+$0x0] =	vst.add.f32.msk $0xffff, v0  }
0xc8: {  	s11 =	smov.u32 s31;
	[tilespmem:s0+$0x0] =	vst.add.f32.msk $0xffff, v1  }
0xc9: {  	s2 =	rddreg [dreg:$0x8]  }
0xca: {  	s1 =	rddreg [dreg:$0x13]  }
0xcb: {  	s0 =	sadd.s32 s2, s23;
	s3 =	sshll.u32 s1, $0x2  }
0xcc: {  	s20 =	rddreg [dreg:$0x5];
	s0 =	sshll.u32 s0, $0x7;
	s22 =	sadd.s32 $0xFFFFFFFC, s3  }
0xcd: {  	s21 =	simm.s32 $0x0;
	s0 =	sadd.s32 s20, s0;
	p0 =	sgt.u32 s22, $0xB  }
0xce: {  	[hbm4b:s0+s21] =	stream.linear.scatter [tilespmem:s21], [sflag:$0x5], $0x4000, $0x38;
	[tilespmem:$0x13A80] =	vst v63  }
0xcf: {  	s0 =	simm.s32 @!p0 $0x8  }
0xd0: {  	_ =	swait.ge @!p0 [sflag:s0], $0x4000  }
0xd1: {  	s25 =	sadd.s32 s23, s2;
	[sflag:s0] =	ssyncset.done @!p0 $0x0  }
0xd2: {  	s1 =	sshll.u32 s25, $0x7;
	s26 =	rddreg [dreg:$0x4]  }
0xd3: {  	s11 =	simm.s32 $0x0;
	s29 =	simm.s32 $0xC000;
	s1 =	sadd.s32 s26, s1  }
0xd4: {  	s30 =	simm.s32 $0x2;
	[sflag:s0] =	ssyncadd.s32 @!p0 $0xFFFFC000;
	s28 =	sadd.s32 $0x1800, s1  }
0xd5: {  	[tilespmem:s29], [sflag:$0x4] =	stream.linear.gather [hbm4b:s28+s11], $0x4000, $0x38;
	[tilespmem:$0x13A80] =	vst v63  }
0xd6: {  	s13 =	simm.s32 $0x0;
	_ =	swait.ge [sflag:s30], $0x4000  }
0xd7: {  	s31 =	sor.u32 $0x1, s3;
	[dreg:$0x14] =	wrdreg s3;
	[sflag:s30] =	ssyncset.done $0x0  }
0xd8: {  	s12 =	sshll.u32 s31, $0x4;
	[dreg:$0x17] =	wrdreg s31;
	[sflag:s30] =	ssyncadd.s32 $0xFFFFC000  }
.LBB2_11:
0xd9: {  	s0 =	sor.u32 s12, s13  }
0xda: {  	v0 =	vld [tilespmem:s0+$0x13900];
	_ =	sdelay $0x4  }
0xdb: {  	(v2sf) =	vpush v0, $0x0  }
0xdc: {  	v1 =	vld [tilespmem:s0+$0x13901];
	_ =	sdelay $0x4  }
0xdd: {  	(v2sf) =	vpush v1, $0x0;
	_ =	sdelay $0x3  }
0xde: {  	s0 =	sshll.u32 s0, $0x2  }
0xdf: {  	v0 =	vmov s0  }
0xe0: {  	v1 =	vor.u32 $0x1, v0  }
0xe1: {  	s0 =	sor.u32 $0x4, s0;
	v3 =	vor.u32 $0x2, v0  }
0xe2: {  	v4 =	vmov s0;
	v0 =	vor.u32 $0x3, v0  }
0xe3: {  	v5 =	vor.u32 $0x1, v4;
	s28 =	spop (v2sf)  }
0xe4: {  	s29 =	sshll.u32 s13, $0xA;
	v6 =	vor.u32 $0x2, v4;
	s1 =	sshll.u32 s28, $0x9;
	s0 =	sshll.u32 s28, $0x7  }
0xe5: {  	s4 =	sshll.u32 s13, $0x7;
	v2 =	vld.idx.msk [tilespmem:v1+s24+$0x0], $0xffff;
	s1 =	sand.u32 $0xFFFFF000, s1;
	s0 =	sand.u32 $0x380, s0  }
0xe6: {  	s30 =	sand.u32 $0x40, s11;
	v3 =	vld.idx.msk [tilespmem:v3+s24+$0x0], $0xffff;
	s0 =	sor.u32 s0, s1;
	s1 =	sand.u32 $0x2000, s29  }
0xe7: {  	s31 =	sand.u32 $0xC00, s11;
	v1 =	vor.u32 $0x3, v4;
	v0 =	vld.idx.msk [tilespmem:v0+s24+$0x0], $0xffff;
	s18 =	sor.u32 $0x4000, s1;
	s1 =	sadd.s32 $0x10000, s0  }
0xe8: {  	s14 =	sand.u32 $0x300, s4;
	s6 =	sor.u32 $0x30, s30;
	v4 =	vld.idx.msk [tilespmem:v5+s24+$0x0], $0xffff;
	s5 =	sadd.s32 s31, s1  }
0xe9: {  	s10 =	sor.u32 $0x20, s30;
	v5 =	vld.idx.msk [tilespmem:v6+s24+$0x0], $0xffff;
	s2 =	spop (v2sf);
	s7 =	sadd.s32 s6, s5  }
0xea: {  	s3 =	sshll.u32 s2, $0x9;
	s2 =	sshll.u32 s2, $0x7;
	s9 =	sadd.s32 s30, s5;
	v6 =	vld [tilespmem:s7+$0x0]  }
0xeb: {  	s3 =	sand.u32 $0xFFFFF000, s3;
	s2 =	sand.u32 $0x380, s2;
	s7 =	sor.u32 $0x10, s30;
	v7 =	vld [tilespmem:s9+$0x0]  }
0xec: {  	v1 =	vld.idx.msk [tilespmem:v1+s24+$0x0], $0xffff;
	s2 =	sor.u32 s2, s3;
	s3 =	sor.u32 s14, s18;
	s15 =	sadd.s32 s7, s5  }
0xed: {  	s8 =	sadd.s32 s31, s3;
	s5 =	sadd.s32 s10, s5;
	v8 =	vld [tilespmem:s15+$0x0]  }
0xee: {  	s2 =	sadd.s32 $0x10000, s2;
	s16 =	sadd.s32 s6, s8;
	v9 =	vld [tilespmem:s5+$0x0]  }
0xef: {  	s4 =	sadd.s32 s31, s2;
	s19 =	sadd.s32 s30, s8;
	[tilespmem:s16+$0x0] =	vst.add.f32.msk $0xffff, v6  }
0xf0: {  	s28 =	simm.s32 $0x200;
	s29 =	simm.s32 $0x40;
	s17 =	sadd.s32 s6, s4;
	[tilespmem:s19+$0x0] =	vst.add.f32.msk $0xffff, v7  }
0xf1: {  	s21 =	sadd.s32 s30, s4;
	s22 =	sadd.s32 s10, s8;
	s9 =	sadd.s32 $0x80, s8;
	v6 =	vld [tilespmem:s17+$0x0]  }
0xf2: {  	s20 =	sadd.s32 s7, s8;
	s25 =	sadd.s32 s6, s9;
	s5 =	sand.u32 $0xC00, s28;
	v7 =	vld [tilespmem:s21+$0x0]  }
0xf3: {  	s6 =	sand.u32 $0x40, s29;
	s0 =	sadd.s32 s30, s9;
	s30 =	sadd.s32 s5, s1;
	[tilespmem:s20+$0x0] =	vst.add.f32.msk $0xffff, v8  }
0xf4: {  	s31 =	sadd.s32 s6, s30;
	[tilespmem:s22+$0x0] =	vst.add.f32.msk $0xffff, v9  }
0xf5: {  	s26 =	sadd.s32 s7, s4;
	s20 =	sor.u32 $0x10, s6;
	v9 =	vld [tilespmem:s31+$0x0]  }
0xf6: {  	v8 =	vld [tilespmem:s26+$0x0];
	s17 =	sadd.s32 s20, s30  }
0xf7: {  	s15 =	sor.u32 $0x30, s6;
	v10 =	vld [tilespmem:s17+$0x0]  }
0xf8: {  	s16 =	sadd.s32 s15, s30;
	[tilespmem:s0+$0x0] =	vst.add.f32.msk $0xffff, v7  }
0xf9: {  	v7 =	vld [tilespmem:s16+$0x0]  }
0xfa: {  	s4 =	sadd.s32 s10, s4;
	s19 =	sadd.s32 s5, s3;
	[tilespmem:s25+$0x0] =	vst.add.f32.msk $0xffff, v6  }
0xfb: {  	v6 =	vld [tilespmem:s4+$0x0];
	s16 =	sor.u32 $0x20, s6;
	s25 =	sadd.s32 s6, s19  }
0xfc: {  	s8 =	sadd.s32 s16, s30;
	[tilespmem:s25+$0x0] =	vst.add.f32.msk $0xffff, v9  }
0xfd: {  	s5 =	sadd.s32 s5, s2;
	s21 =	sadd.s32 s15, s19;
	v11 =	vld [tilespmem:s8+$0x0]  }
0xfe: {  	s22 =	sadd.s32 s15, s5;
	[tilespmem:s21+$0x0] =	vst.add.f32.msk $0xffff, v7  }
0xff: {  	s17 =	sadd.s32 s7, s9;
	v7 =	vld [tilespmem:s22+$0x0]  }
0x100: {  	s29 =	sadd.s32 s6, s5;
	[tilespmem:s17+$0x0] =	vst.add.f32.msk $0xffff, v8  }
0x101: {  	s26 =	sadd.s32 s20, s19;
	s7 =	sadd.s32 $0x80, s19;
	v8 =	vld [tilespmem:s29+$0x0]  }
0x102: {  	s31 =	sadd.s32 s15, s7;
	s28 =	sadd.s32 s16, s19;
	[tilespmem:s26+$0x0] =	vst.add.f32.msk $0xffff, v10  }
0x103: {  	s15 =	sadd.s32 s20, s7;
	s4 =	sadd.s32 s10, s9;
	s0 =	simm.s32 $0x4;
	[tilespmem:s28+$0x0] =	vst.add.f32.msk $0xffff, v11  }
0x104: {  	s10 =	simm.s32 $0x80;
	s30 =	sadd.s32 s20, s5;
	s19 =	sadd.s32 s6, s7;
	[tilespmem:s31+$0x0] =	vst.add.f32.msk $0xffff, v7  }
0x105: {  	s17 =	sadd.s32 s16, s5;
	s16 =	sadd.s32 s16, s7;
	s5 =	simm.s32 $0x400;
	v7 =	vld [tilespmem:s30+$0x0]  }
.LBB2_12:
0x106: {  	s6 =	sand.u32 $0x40, s10;
	s7 =	sand.u32 $0xC00, s5;
	s0 =	sadd.s32 $0x4, s0;
	v9 =	vld [tilespmem:s17+$0x0]  }
0x107: {  	s9 =	sadd.s32 s7, s1;
	s20 =	sor.u32 $0x30, s6;
	p0 =	slt.u32 s0, $0x1C;
	[tilespmem:s4+$0x0] =	vst.add.f32.msk $0xffff, v6  }
0x108: {  	s21 =	sor.u32 $0x10, s6;
	s26 =	sor.u32 $0x20, s6;
	s4 =	sadd.s32 s20, s9;
	[tilespmem:s19+$0x0] =	vst.add.f32.msk $0xffff, v8  }
0x109: {  	s17 =	sadd.s32 s6, s9;
	s19 =	sadd.s32 s21, s9;
	s9 =	sadd.s32 s26, s9;
	v8 =	vld [tilespmem:s4+$0x0]  }
0x10a: {  	s4 =	smov.u32 s16;
	v10 =	vld [tilespmem:s17+$0x0]  }
0x10b: {  	v11 =	vld [tilespmem:s19+$0x0];
	v6 =	vmov v9  }
0x10c: {  	s16 =	sadd.s32 s7, s3;
	v9 =	vld [tilespmem:s9+$0x0]  }
0x10d: {  	s7 =	sadd.s32 s7, s2;
	s17 =	sadd.s32 s20, s16;
	s9 =	sadd.s32 s6, s16;
	[tilespmem:s15+$0x0] =	vst.add.f32.msk $0xffff, v7  }
0x10e: {  	s28 =	sadd.s32 s20, s7;
	s19 =	sadd.s32 s26, s16;
	s15 =	sadd.s32 s21, s16;
	[tilespmem:s17+$0x0] =	vst.add.f32.msk $0xffff, v8  }
0x10f: {  	s29 =	sadd.s32 s6, s7;
	s30 =	sadd.s32 s21, s7;
	s17 =	sadd.s32 s26, s7;
	v7 =	vld [tilespmem:s28+$0x0]  }
0x110: {  	[tilespmem:s9+$0x0] =	vst.add.f32.msk $0xffff, v10  }
.Ltmp4:
0x111: {  	[tilespmem:s15+$0x0] =	vst.add.f32.msk $0xffff, v11;
	(pc) =	sbr.rel @p0 .LBB2_12-.Ltmp4, $4  }
0x112: {  	s7 =	sadd.s32 $0x80, s16;
	[tilespmem:s19+$0x0] =	vst.add.f32.msk $0xffff, v9  }
0x113: {  	s15 =	sadd.s32 s21, s7;
	s19 =	sadd.s32 s6, s7;
	s6 =	sadd.s32 s20, s7;
	v8 =	vld [tilespmem:s29+$0x0]  }
0x114: {  	s16 =	sadd.s32 s26, s7;
	[tilespmem:s6+$0x0] =	vst.add.f32.msk $0xffff, v7  }
0x115: {  	s5 =	sadd.s32 $0x200, s5;
	s10 =	sadd.s32 $0x40, s10;
	v7 =	vld [tilespmem:s30+$0x0]  }
0x116: {  	v9 =	vld [tilespmem:s17+$0x0];
	_ =	sdelay $0x1  }
0x117: {  	[tilespmem:s4+$0x0] =	vst.add.f32.msk $0xffff, v6  }
0x118: {  	[tilespmem:s19+$0x0] =	vst.add.f32.msk $0xffff, v8  }
0x119: {  	[tilespmem:s15+$0x0] =	vst.add.f32.msk $0xffff, v7  }
0x11a: {  	s2 =	simm.s32 $0x13130;
	s1 =	simm.s32 $0x0;
	[tilespmem:s16+$0x0] =	vst.add.f32.msk $0xffff, v9  }
0x11b: {  	s0 =	sand.u32 $0xC0, s1;
	v6 =	vld [tilespmem:s2+$0xFFFFFED0]  }
0x11c: {  	v7 =	vld [tilespmem:s0+$0x13100]  }
0x11d: {  	v8 =	vld [tilespmem:s2+$0xFFFFFEE0]  }
0x11e: {  	v9 =	vld [tilespmem:s2+$0xFFFFFFE0]  }
0x11f: {  	s19 =	simm.s32 $0x13320;
	v10 =	vld [tilespmem:s2+$0xFFFFFEF0]  }
0x120: {  	s10 =	sor.u32 $0x80, s14;
	v11 =	vld [tilespmem:s19+$0xFFFFFFE0]  }
0x121: {  	s7 =	simm.s32 $0x210;
	s3 =	simm.s32 $0x220;
	s8 =	simm.s32 $0x230;
	v15 =	vld [tilespmem:s2+$0xFFFFFF00];
	v12 =	vmul.f32 v6, v2;
	v13 =	vmul.f32 v7, v3  }
0x122: {  	s20 =	simm.s32 $0x0;
	s6 =	simm.s32 $0x1080;
	s9 =	simm.s32 $0x1100;
	v14 =	vld [tilespmem:s2+$0xFFFFFFF0];
	v6 =	vmul.f32 v6, v4;
	v7 =	vmul.f32 v7, v5  }
0x123: {  	s30 =	simm.s32 $0x13170;
	s29 =	simm.s32 $0x40;
	s31 =	simm.s32 $0x0;
	v16 =	vld [tilespmem:s2+$0x0];
	v60 =	vmul.f32 v8, v2;
	v17 =	vmul.f32 v9, v3  }
0x124: {  	s3 =	sand.u32 $0x60, s3;
	s4 =	sand.u32 $0x70, s8;
	s5 =	sand.u32 $0x400, s1;
	v9 =	vmul.f32 v9, v5;
	v18 =	vmul.f32 v10, v2;
	v12 =	vadd.f32 v13, v12  }
0x125: {  	s21 =	sadd.s32 s5, s18;
	s15 =	sand.u32 $0x1400, s6;
	s16 =	simm.s32 $0x1180;
	v10 =	vmul.f32 v10, v4;
	v6 =	vadd.f32 v7, v6;
	v7 =	vmul.f32 v8, v4;
	v8 =	vld [tilespmem:s19+$0xFFFFFFF0]  }
0x126: {  	s5 =	sadd.s32 s15, s18;
	s0 =	sand.u32 $0x50, s7;
	s7 =	sadd.s32 $0x1000, s21;
	v61 =	vmul.f32 v15, v2;
	v15 =	vmul.f32 v15, v4;
	v12 =	vadd.f32 v12, v11  }
0x127: {  	s2 =	sand.u32 $0x1400, s9;
	s6 =	sand.u32 $0x1400, s16;
	s9 =	sand.u32 $0x40, s1;
	v19 =	vld [tilespmem:s19+$0x0];
	v6 =	vadd.f32 v6, v11;
	v11 =	vmul.f32 v14, v3;
	v14 =	vmul.f32 v14, v5  }
0x128: {  	v20 =	vld [tilespmem:s19+$0x10];
	s22 =	sadd.s32 s14, s5;
	s5 =	sadd.s32 s10, s5;
	s17 =	sadd.s32 s14, s7;
	v13 =	vadd.f32 v17, v60;
	v7 =	vadd.f32 v9, v7;
	v9 =	vmul.f32 v16, v3  }
0x129: {  	s7 =	sadd.s32 s10, s7;
	s2 =	sadd.s32 s2, s18;
	s15 =	sadd.s32 s9, s17;
	v16 =	vmul.f32 v16, v5;
	v11 =	vadd.f32 v11, v18;
	v10 =	vadd.f32 v14, v10  }
0x12a: {  	s6 =	sadd.s32 s6, s18;
	s7 =	sadd.s32 s9, s7;
	s25 =	sadd.s32 s14, s2;
	[tilespmem:s15+$0x0] =	vst.add.f32.msk $0xffff, v12;
	v62 =	vadd.f32 v9, v61;
	v13 =	vadd.f32 v13, v8  }
0x12b: {  	s2 =	sadd.s32 s10, s2;
	s9 =	sadd.s32 s0, s22;
	s26 =	sadd.s32 s14, s6;
	[tilespmem:s7+$0x0] =	vst.add.f32.msk $0xffff, v6;
	v6 =	vadd.f32 v16, v15;
	v63 =	vadd.f32 v7, v8  }
0x12c: {  	s6 =	sadd.s32 s10, s6;
	s0 =	sadd.s32 s0, s5;
	s28 =	sadd.s32 s3, s25;
	v9 =	vadd.f32 v11, v19;
	v7 =	vadd.f32 v10, v19;
	[tilespmem:s9+$0x0] =	vst.add.f32.msk $0xffff, v13  }
0x12d: {  	s16 =	sadd.s32 s4, s26;
	s26 =	sadd.s32 s4, s6;
	s15 =	sadd.s32 s3, s2;
	v8 =	vadd.f32 v62, v20;
	v6 =	vadd.f32 v6, v20;
	[tilespmem:s0+$0x0] =	vst.add.f32.msk $0xffff, v63  }
.LBB2_14:
0x12e: {  	v10 =	vld [tilespmem:s30+$0xFFFFFED0];
	s0 =	sand.u32 $0xC0, s29;
	s2 =	sadd.s32 $0x210, s29;
	s3 =	sadd.s32 $0x220, s29  }
0x12f: {  	s20 =	sadd.s32 $0x4, s20;
	v11 =	vld [tilespmem:s0+$0x13100];
	s4 =	sand.u32 $0x50, s2;
	s0 =	sadd.s32 $0x230, s29  }
0x130: {  	s5 =	sand.u32 $0x60, s3;
	p0 =	slt.u32 s20, $0xC;
	v12 =	vld [tilespmem:s30+$0xFFFFFEE0];
	s0 =	sand.u32 $0x70, s0  }
0x131: {  	v13 =	vld [tilespmem:s30+$0xFFFFFFE0]  }
0x132: {  	s19 =	sadd.s32 $0x40, s19;
	v14 =	vld [tilespmem:s30+$0xFFFFFEF0]  }
0x133: {  	s17 =	simm.s32 $0x13230;
	s2 =	simm.s32 $0x13430;
	v15 =	vld [tilespmem:s19+$0xFFFFFFE0]  }
0x134: {  	s31 =	sadd.s32 $0x200, s31;
	s25 =	sand.u32 $0x40, s29;
	s3 =	simm.s32 $0x330;
	v16 =	vmul.f32 v10, v2;
	v17 =	vmul.f32 v11, v3;
	v18 =	vld [tilespmem:s30+$0xFFFFFFF0]  }
0x135: {  	s6 =	sand.u32 $0x400, s31;
	s7 =	sadd.s32 $0x1080, s31;
	s9 =	sadd.s32 $0x1100, s31;
	v10 =	vmul.f32 v10, v4;
	v11 =	vmul.f32 v11, v5;
	v19 =	vld [tilespmem:s30+$0xFFFFFF00]  }
0x136: {  	s22 =	sadd.s32 $0x1180, s31;
	s6 =	sadd.s32 s6, s18;
	s7 =	sand.u32 $0x1400, s7;
	v16 =	vadd.f32 v17, v16;
	v17 =	vmul.f32 v12, v2;
	v20 =	vmul.f32 v13, v3;
	v21 =	vld [tilespmem:s30+$0x0]  }
0x137: {  	s9 =	sand.u32 $0x1400, s9;
	s22 =	sand.u32 $0x1400, s22;
	s6 =	sadd.s32 $0x1000, s6;
	v10 =	vadd.f32 v11, v10;
	v12 =	vmul.f32 v12, v4;
	v13 =	vmul.f32 v13, v5;
	v11 =	vld [tilespmem:s19+$0xFFFFFFF0]  }
0x138: {  	s7 =	sadd.s32 s7, s18;
	s9 =	sadd.s32 s9, s18;
	s8 =	sadd.s32 s14, s6;
	v23 =	vmul.f32 v14, v2;
	v14 =	vmul.f32 v14, v4;
	v16 =	vadd.f32 v16, v15;
	v22 =	vld [tilespmem:s19+$0x0]  }
0x139: {  	s22 =	sadd.s32 s22, s18;
	s6 =	sadd.s32 s10, s6;
	s8 =	sadd.s32 s25, s8;
	v10 =	vadd.f32 v10, v15;
	v15 =	vmul.f32 v18, v3;
	v18 =	vmul.f32 v18, v5;
	v24 =	vld [tilespmem:s19+$0x10]  }
0x13a: {  	s6 =	sadd.s32 s25, s6;
	s25 =	sadd.s32 s14, s22;
	[tilespmem:s8+$0x0] =	vst.add.f32.msk $0xffff, v16;
	v16 =	vadd.f32 v20, v17;
	s8 =	sadd.s32 s14, s7;
	v17 =	vmul.f32 v19, v2;
	v19 =	vmul.f32 v19, v4  }
0x13b: {  	[tilespmem:s6+$0x0] =	vst.add.f32.msk $0xffff, v10;
	v10 =	vadd.f32 v13, v12;
	s6 =	sadd.s32 s10, s7;
	s7 =	sadd.s32 s14, s9;
	s9 =	sadd.s32 s10, s9;
	v12 =	vmul.f32 v21, v3;
	v13 =	vmul.f32 v21, v5  }
0x13c: {  	s22 =	sadd.s32 s10, s22;
	s8 =	sadd.s32 s4, s8;
	v15 =	vadd.f32 v15, v23;
	v14 =	vadd.f32 v18, v14;
	[tilespmem:s28+$0x0] =	vst.add.f32.msk $0xffff, v9;
	s4 =	sadd.s32 s4, s6  }
.Ltmp5:
0x13d: {  	s28 =	sadd.s32 s5, s7;
	v12 =	vadd.f32 v12, v17;
	v13 =	vadd.f32 v13, v19;
	[tilespmem:s15+$0x0] =	vst.add.f32.msk $0xffff, v7;
	s15 =	sadd.s32 s5, s9;
	(pc) =	sbr.rel @p0 .LBB2_14-.Ltmp5, $4  }
0x13e: {  	v16 =	vadd.f32 v16, v11;
	v10 =	vadd.f32 v10, v11;
	s5 =	sadd.s32 s0, s22;
	[tilespmem:s16+$0x0] =	vst.add.f32.msk $0xffff, v8;
	s16 =	sadd.s32 s0, s25  }
0x13f: {  	v9 =	vadd.f32 v15, v22;
	v7 =	vadd.f32 v14, v22;
	[tilespmem:s26+$0x0] =	vst.add.f32.msk $0xffff, v6;
	s26 =	smov.u32 s5  }
0x140: {  	v8 =	vadd.f32 v12, v24;
	v6 =	vadd.f32 v13, v24;
	[tilespmem:s8+$0x0] =	vst.add.f32.msk $0xffff, v16  }
0x141: {  	s29 =	sadd.s32 $0x40, s29;
	s30 =	sadd.s32 $0x40, s30;
	[tilespmem:s4+$0x0] =	vst.add.f32.msk $0xffff, v10  }
0x142: {  	[tilespmem:s28+$0x0] =	vst.add.f32.msk $0xffff, v9  }
0x143: {  	[tilespmem:s16+$0x0] =	vst.add.f32.msk $0xffff, v8  }
0x144: {  	s0 =	simm.s32 $0x0;
	[tilespmem:s15+$0x0] =	vst.add.f32.msk $0xffff, v7  }
0x145: {  	[tilespmem:s26+$0x0] =	vst.add.f32.msk $0xffff, v6;
	s4 =	sand.u32 $0xC0, s0  }
0x146: {  	v2 =	vld [tilespmem:s4+$0x13200];
	_ =	sdelay $0x1  }
0x147: {  	s5 =	simm.s32 $0x310;
	s6 =	simm.s32 $0x320;
	v6 =	vld [tilespmem:s4+$0x13400]  }
0x148: {  	s16 =	simm.s32 $0x0;
	s19 =	simm.s32 $0x13270;
	s28 =	simm.s32 $0x1880;
	v7 =	vld [tilespmem:s17+$0xFFFFFFE0]  }
0x149: {  	s29 =	simm.s32 $0x1900;
	s30 =	simm.s32 $0x1980;
	s7 =	sadd.s32 $0x1800, s21;
	v3 =	vld [tilespmem:s2+$0xFFFFFFE0]  }
0x14a: {  	s26 =	sand.u32 $0x50, s5;
	s20 =	sand.u32 $0x60, s6;
	s15 =	sand.u32 $0x70, s3;
	v5 =	vld [tilespmem:s17+$0xFFFFFFF0];
	v8 =	vmul.f32 v2, v0  }
0x14b: {  	s5 =	sand.u32 $0x1C00, s29;
	s6 =	sand.u32 $0x1C00, s30;
	s0 =	sand.u32 $0x40, s0;
	v4 =	vld [tilespmem:s2+$0xFFFFFFF0];
	v9 =	vmul.f32 v2, v1  }
0x14c: {  	s8 =	sadd.s32 s14, s7;
	s7 =	sadd.s32 s10, s7;
	s4 =	sand.u32 $0x1C00, s28;
	v2 =	vld [tilespmem:s2+$0x0];
	v8 =	vadd.f32 v8, v6  }
0x14d: {  	s8 =	sadd.s32 s0, s8;
	s9 =	sadd.s32 s5, s18;
	s31 =	sadd.s32 s0, s7;
	v11 =	vmul.f32 v7, v0;
	v10 =	vadd.f32 v9, v6;
	v6 =	vld [tilespmem:s17+$0x0]  }
0x14e: {  	s0 =	sadd.s32 s6, s18;
	s4 =	sadd.s32 s4, s18;
	s5 =	sadd.s32 s14, s9;
	v9 =	vmul.f32 v7, v1;
	[tilespmem:s8+$0x0] =	vst.add.f32.msk $0xffff, v8  }
0x14f: {  	s21 =	sadd.s32 s10, s4;
	s17 =	sadd.s32 s14, s4;
	v7 =	vadd.f32 v11, v3;
	s4 =	sadd.s32 s10, s9;
	v8 =	vmul.f32 v5, v0;
	[tilespmem:s31+$0x0] =	vst.add.f32.msk $0xffff, v10  }
.LBB2_16:
0x150: {  	v10 =	vld [tilespmem:s19+$0xFFFFFFE0];
	s6 =	sadd.s32 s26, s17;
	v3 =	vadd.f32 v9, v3;
	v5 =	vmul.f32 v5, v1;
	s7 =	sadd.s32 s14, s0;
	s0 =	sadd.s32 s10, s0  }
0x151: {  	s5 =	sadd.s32 s20, s5;
	s4 =	sadd.s32 s20, s4;
	[tilespmem:s6+$0x0] =	vst.add.f32.msk $0xffff, v7;
	s6 =	sadd.s32 s26, s21;
	v7 =	vadd.f32 v8, v4  }
0x152: {  	s3 =	sadd.s32 $0x40, s3;
	s0 =	sadd.s32 s15, s0;
	[tilespmem:s6+$0x0] =	vst.add.f32.msk $0xffff, v3;
	v3 =	vadd.f32 v5, v4;
	v4 =	vmul.f32 v6, v0;
	s6 =	sadd.s32 s15, s7  }
0x153: {  	s8 =	sadd.s32 $0xFFFFFFE0, s3;
	s9 =	sadd.s32 $0xFFFFFFF0, s3;
	s7 =	sadd.s32 $0xFFFFFCD0, s3;
	[tilespmem:s5+$0x0] =	vst.add.f32.msk $0xffff, v7  }
0x154: {  	s16 =	sadd.s32 $0x4, s16;
	s26 =	sand.u32 $0x50, s8;
	s5 =	sand.u32 $0xC0, s7;
	[tilespmem:s4+$0x0] =	vst.add.f32.msk $0xffff, v3;
	v3 =	vadd.f32 v4, v2;
	v4 =	vmul.f32 v6, v1  }
0x155: {  	p0 =	slt.u32 s16, $0xC;
	s20 =	sand.u32 $0x60, s9;
	s15 =	sand.u32 $0x70, s3;
	v6 =	vld [tilespmem:s5+$0x13200]  }
0x156: {  	s4 =	smov.u32 s19;
	[tilespmem:s6+$0x0] =	vst.add.f32.msk $0xffff, v3;
	v2 =	vadd.f32 v4, v2  }
0x157: {  	s1 =	sadd.s32 $0x200, s1;
	v7 =	vld [tilespmem:s5+$0x13400]  }
0x158: {  	s2 =	sadd.s32 $0x40, s2;
	s8 =	sadd.s32 $0x1980, s1;
	s19 =	sadd.s32 $0x40, s19;
	[tilespmem:s0+$0x0] =	vst.add.f32.msk $0xffff, v2  }
0x159: {  	s6 =	sadd.s32 $0x1900, s1;
	s5 =	sadd.s32 $0x1880, s1;
	s0 =	sand.u32 $0x400, s1;
	v3 =	vld [tilespmem:s2+$0xFFFFFFE0]  }
0x15a: {  	s8 =	sand.u32 $0x1C00, s8;
	s5 =	sand.u32 $0x1C00, s5;
	s0 =	sadd.s32 s0, s18;
	v2 =	vmul.f32 v6, v0;
	v5 =	vld [tilespmem:s4+$0xFFFFFFF0]  }
.Ltmp6:
0x15b: {  	s6 =	sand.u32 $0x1C00, s6;
	s0 =	sadd.s32 $0x1800, s0;
	v6 =	vmul.f32 v6, v1;
	v4 =	vld [tilespmem:s2+$0xFFFFFFF0];
	(pc) =	sbr.rel @p0 .LBB2_16-.Ltmp6, $4  }
0x15c: {  	s7 =	sand.u32 $0x40, s7;
	s5 =	sadd.s32 s5, s18;
	s9 =	sadd.s32 s14, s0;
	v8 =	vadd.f32 v2, v7;
	v2 =	vld [tilespmem:s2+$0x0]  }
0x15d: {  	v11 =	vmul.f32 v10, v0;
	s6 =	sadd.s32 s6, s18;
	s0 =	sadd.s32 s10, s0;
	s9 =	sadd.s32 s7, s9;
	v7 =	vadd.f32 v6, v7;
	v6 =	vld [tilespmem:s4+$0x0]  }
0x15e: {  	v9 =	vmul.f32 v10, v1;
	s17 =	sadd.s32 s14, s5;
	s4 =	sadd.s32 s7, s0;
	s0 =	sadd.s32 s8, s18;
	[tilespmem:s9+$0x0] =	vst.add.f32.msk $0xffff, v8  }
0x15f: {  	s21 =	sadd.s32 s10, s5;
	s5 =	sadd.s32 s14, s6;
	[tilespmem:s4+$0x0] =	vst.add.f32.msk $0xffff, v7;
	v7 =	vadd.f32 v11, v3;
	v8 =	vmul.f32 v5, v0;
	s4 =	sadd.s32 s10, s6  }
0x160: {  	_ = 	snop  }
0x161: {  	s1 =	sadd.s32 s26, s17;
	v3 =	vadd.f32 v9, v3;
	v5 =	vmul.f32 v5, v1  }
0x162: {  	s28 =	sadd.s32 s26, s21;
	p0 =	slt.u32 s13, $0xE;
	[tilespmem:s1+$0x0] =	vst.add.f32.msk $0xffff, v7;
	v61 =	vadd.f32 v8, v4;
	v0 =	vmul.f32 v6, v0  }
.Ltmp7:
0x163: {  	s2 =	sadd.s32 s20, s5;
	[tilespmem:s28+$0x0] =	vst.add.f32.msk $0xffff, v3;
	v62 =	vadd.f32 v5, v4;
	v63 =	vmul.f32 v6, v1;
	(pc) =	sbr.rel @p0 .LBB2_11-.Ltmp7, $4  }
0x164: {  	s29 =	sadd.s32 s14, s0;
	s3 =	sadd.s32 s20, s4;
	[tilespmem:s2+$0x0] =	vst.add.f32.msk $0xffff, v61;
	v0 =	vadd.f32 v0, v2  }
0x165: {  	s30 =	sadd.s32 s10, s0;
	s1 =	sadd.s32 s15, s29;
	[tilespmem:s3+$0x0] =	vst.add.f32.msk $0xffff, v62;
	v1 =	vadd.f32 v63, v2  }
0x166: {  	s31 =	sadd.s32 $0x2, s13;
	s0 =	sadd.s32 s15, s30;
	[tilespmem:s1+$0x0] =	vst.add.f32.msk $0xffff, v0  }
0x167: {  	s13 =	smov.u32 s31;
	[tilespmem:s0+$0x0] =	vst.add.f32.msk $0xffff, v1  }
0x168: {  	s0 =	rddreg [dreg:$0x8]  }
0x169: {  	s1 =	rddreg [dreg:$0x5];
	s0 =	sadd.s32 s0, s12  }
0x16a: {  	s26 =	simm.s32 $0x0;
	s28 =	rddreg [dreg:$0x17];
	s0 =	sshll.u32 s0, $0x7  }
0x16b: {  	s2 =	simm.s32 $0x4000;
	p0 =	sgt.u32 s28, $0xC;
	s0 =	sadd.s32 s1, s0  }
0x16c: {  	[hbm4b:s0+s26] =	stream.linear.scatter [tilespmem:s2], [sflag:$0x6], $0x4000, $0x38;
	[tilespmem:$0x13A80] =	vst v63  }
0x16d: {  	s0 =	simm.s32 @!p0 $0x5  }
0x16e: {  	_ =	swait.ge @!p0 [sflag:s0], $0x4000  }
0x16f: {  	s1 =	rddreg [dreg:$0xe];
	[sflag:s0] =	ssyncset.done @!p0 $0x0  }
0x170: {  	s1 =	sadd.s32 @!p0 s23, s1;
	[sflag:s0] =	ssyncadd.s32 @!p0 $0xFFFFC000  }
0x171: {  	s1 =	sshll.u32 @!p0 s1, $0x7;
	s0 =	rddreg [dreg:$0x4]  }
0x172: {  	s31 =	simm.s32 $0x3;
	s0 =	sadd.s32 @!p0 s0, s1;
	s1 =	simm.s32 @!p0 $0x0  }
0x173: {  	[tilespmem:s1], [sflag:$0x1] =	stream.linear.gather @!p0 [hbm4b:s0+s1], $0x4000, $0x38;
	[tilespmem:$0x13A80] =	vst v63  }
0x174: {  	s13 =	simm.s32 $0x0;
	s29 =	rddreg [dreg:$0x14];
	_ =	swait.ge [sflag:s31], $0x4000  }
0x175: {  	s12 =	simm.s32 $0x0;
	s30 =	sor.u32 $0x2, s29;
	[sflag:s31] =	ssyncset.done $0x0  }
0x176: {  	s11 =	sshll.u32 s30, $0x4;
	[dreg:$0x15] =	wrdreg s30;
	[sflag:s31] =	ssyncadd.s32 $0xFFFFC000  }
.LBB2_19:
0x177: {  	s0 =	sor.u32 s11, s13  }
0x178: {  	v0 =	vld [tilespmem:s0+$0x13900];
	_ =	sdelay $0x4  }
0x179: {  	(v2sf) =	vpush v0, $0x0  }
0x17a: {  	v1 =	vld [tilespmem:s0+$0x13901];
	_ =	sdelay $0x4  }
0x17b: {  	(v2sf) =	vpush v1, $0x0;
	_ =	sdelay $0x3  }
0x17c: {  	s0 =	sshll.u32 s0, $0x2  }
0x17d: {  	v0 =	vmov s0  }
0x17e: {  	v1 =	vor.u32 $0x1, v0  }
0x17f: {  	s0 =	sor.u32 $0x4, s0;
	v3 =	vor.u32 $0x2, v0  }
0x180: {  	v4 =	vmov s0;
	v0 =	vor.u32 $0x3, v0  }
0x181: {  	v5 =	vor.u32 $0x1, v4;
	s28 =	spop (v2sf)  }
0x182: {  	s29 =	sshll.u32 s13, $0xA;
	v6 =	vor.u32 $0x2, v4;
	s1 =	sshll.u32 s28, $0x9;
	s0 =	sshll.u32 s28, $0x7  }
0x183: {  	s4 =	sshll.u32 s13, $0x7;
	v2 =	vld.idx.msk [tilespmem:v1+s24+$0x0], $0xffff;
	s1 =	sand.u32 $0xFFFFF000, s1;
	s0 =	sand.u32 $0x380, s0  }
0x184: {  	s30 =	sand.u32 $0x40, s12;
	v3 =	vld.idx.msk [tilespmem:v3+s24+$0x0], $0xffff;
	s0 =	sor.u32 s0, s1;
	s1 =	sand.u32 $0x2000, s29  }
0x185: {  	s31 =	sand.u32 $0xC00, s12;
	v1 =	vor.u32 $0x3, v4;
	v0 =	vld.idx.msk [tilespmem:v0+s24+$0x0], $0xffff;
	s18 =	sor.u32 $0x8000, s1;
	s1 =	sadd.s32 $0x10000, s0  }
0x186: {  	s14 =	sand.u32 $0x300, s4;
	s6 =	sor.u32 $0x30, s30;
	v4 =	vld.idx.msk [tilespmem:v5+s24+$0x0], $0xffff;
	s5 =	sadd.s32 s31, s1  }
0x187: {  	s10 =	sor.u32 $0x20, s30;
	v5 =	vld.idx.msk [tilespmem:v6+s24+$0x0], $0xffff;
	s2 =	spop (v2sf);
	s7 =	sadd.s32 s6, s5  }
0x188: {  	s3 =	sshll.u32 s2, $0x9;
	s2 =	sshll.u32 s2, $0x7;
	s9 =	sadd.s32 s30, s5;
	v6 =	vld [tilespmem:s7+$0x0]  }
0x189: {  	s3 =	sand.u32 $0xFFFFF000, s3;
	s2 =	sand.u32 $0x380, s2;
	s7 =	sor.u32 $0x10, s30;
	v7 =	vld [tilespmem:s9+$0x0]  }
0x18a: {  	v1 =	vld.idx.msk [tilespmem:v1+s24+$0x0], $0xffff;
	s2 =	sor.u32 s2, s3;
	s3 =	sor.u32 s14, s18;
	s15 =	sadd.s32 s7, s5  }
0x18b: {  	s8 =	sadd.s32 s31, s3;
	s5 =	sadd.s32 s10, s5;
	v8 =	vld [tilespmem:s15+$0x0]  }
0x18c: {  	s2 =	sadd.s32 $0x10000, s2;
	s16 =	sadd.s32 s6, s8;
	v9 =	vld [tilespmem:s5+$0x0]  }
0x18d: {  	s4 =	sadd.s32 s31, s2;
	s19 =	sadd.s32 s30, s8;
	[tilespmem:s16+$0x0] =	vst.add.f32.msk $0xffff, v6  }
0x18e: {  	s28 =	simm.s32 $0x200;
	s29 =	simm.s32 $0x40;
	s17 =	sadd.s32 s6, s4;
	[tilespmem:s19+$0x0] =	vst.add.f32.msk $0xffff, v7  }
0x18f: {  	s21 =	sadd.s32 s30, s4;
	s22 =	sadd.s32 s10, s8;
	s9 =	sadd.s32 $0x80, s8;
	v6 =	vld [tilespmem:s17+$0x0]  }
0x190: {  	s20 =	sadd.s32 s7, s8;
	s25 =	sadd.s32 s6, s9;
	s5 =	sand.u32 $0xC00, s28;
	v7 =	vld [tilespmem:s21+$0x0]  }
0x191: {  	s6 =	sand.u32 $0x40, s29;
	s0 =	sadd.s32 s30, s9;
	s30 =	sadd.s32 s5, s1;
	[tilespmem:s20+$0x0] =	vst.add.f32.msk $0xffff, v8  }
0x192: {  	s31 =	sadd.s32 s6, s30;
	[tilespmem:s22+$0x0] =	vst.add.f32.msk $0xffff, v9  }
0x193: {  	s26 =	sadd.s32 s7, s4;
	s20 =	sor.u32 $0x10, s6;
	v9 =	vld [tilespmem:s31+$0x0]  }
0x194: {  	v8 =	vld [tilespmem:s26+$0x0];
	s17 =	sadd.s32 s20, s30  }
0x195: {  	s15 =	sor.u32 $0x30, s6;
	v10 =	vld [tilespmem:s17+$0x0]  }
0x196: {  	s16 =	sadd.s32 s15, s30;
	[tilespmem:s0+$0x0] =	vst.add.f32.msk $0xffff, v7  }
0x197: {  	v7 =	vld [tilespmem:s16+$0x0]  }
0x198: {  	s4 =	sadd.s32 s10, s4;
	s19 =	sadd.s32 s5, s3;
	[tilespmem:s25+$0x0] =	vst.add.f32.msk $0xffff, v6  }
0x199: {  	v6 =	vld [tilespmem:s4+$0x0];
	s16 =	sor.u32 $0x20, s6;
	s25 =	sadd.s32 s6, s19  }
0x19a: {  	s8 =	sadd.s32 s16, s30;
	[tilespmem:s25+$0x0] =	vst.add.f32.msk $0xffff, v9  }
0x19b: {  	s5 =	sadd.s32 s5, s2;
	s21 =	sadd.s32 s15, s19;
	v11 =	vld [tilespmem:s8+$0x0]  }
0x19c: {  	s22 =	sadd.s32 s15, s5;
	[tilespmem:s21+$0x0] =	vst.add.f32.msk $0xffff, v7  }
0x19d: {  	s17 =	sadd.s32 s7, s9;
	v7 =	vld [tilespmem:s22+$0x0]  }
0x19e: {  	s29 =	sadd.s32 s6, s5;
	[tilespmem:s17+$0x0] =	vst.add.f32.msk $0xffff, v8  }
0x19f: {  	s26 =	sadd.s32 s20, s19;
	s7 =	sadd.s32 $0x80, s19;
	v8 =	vld [tilespmem:s29+$0x0]  }
0x1a0: {  	s31 =	sadd.s32 s15, s7;
	s28 =	sadd.s32 s16, s19;
	[tilespmem:s26+$0x0] =	vst.add.f32.msk $0xffff, v10  }
0x1a1: {  	s15 =	sadd.s32 s20, s7;
	s4 =	sadd.s32 s10, s9;
	s0 =	simm.s32 $0x4;
	[tilespmem:s28+$0x0] =	vst.add.f32.msk $0xffff, v11  }
0x1a2: {  	s10 =	simm.s32 $0x80;
	s30 =	sadd.s32 s20, s5;
	s19 =	sadd.s32 s6, s7;
	[tilespmem:s31+$0x0] =	vst.add.f32.msk $0xffff, v7  }
0x1a3: {  	s17 =	sadd.s32 s16, s5;
	s16 =	sadd.s32 s16, s7;
	s5 =	simm.s32 $0x400;
	v7 =	vld [tilespmem:s30+$0x0]  }
.LBB2_20:
0x1a4: {  	s6 =	sand.u32 $0x40, s10;
	s7 =	sand.u32 $0xC00, s5;
	s0 =	sadd.s32 $0x4, s0;
	v9 =	vld [tilespmem:s17+$0x0]  }
0x1a5: {  	s9 =	sadd.s32 s7, s1;
	s20 =	sor.u32 $0x30, s6;
	p0 =	slt.u32 s0, $0x1C;
	[tilespmem:s4+$0x0] =	vst.add.f32.msk $0xffff, v6  }
0x1a6: {  	s21 =	sor.u32 $0x10, s6;
	s22 =	sor.u32 $0x20, s6;
	s4 =	sadd.s32 s20, s9;
	[tilespmem:s19+$0x0] =	vst.add.f32.msk $0xffff, v8  }
0x1a7: {  	s17 =	sadd.s32 s6, s9;
	s19 =	sadd.s32 s21, s9;
	s9 =	sadd.s32 s22, s9;
	v8 =	vld [tilespmem:s4+$0x0]  }
0x1a8: {  	s4 =	smov.u32 s16;
	v10 =	vld [tilespmem:s17+$0x0]  }
0x1a9: {  	v11 =	vld [tilespmem:s19+$0x0];
	v6 =	vmov v9  }
0x1aa: {  	s16 =	sadd.s32 s7, s3;
	v9 =	vld [tilespmem:s9+$0x0]  }
0x1ab: {  	s7 =	sadd.s32 s7, s2;
	s17 =	sadd.s32 s20, s16;
	s9 =	sadd.s32 s6, s16;
	[tilespmem:s15+$0x0] =	vst.add.f32.msk $0xffff, v7  }
0x1ac: {  	s25 =	sadd.s32 s20, s7;
	s19 =	sadd.s32 s22, s16;
	s15 =	sadd.s32 s21, s16;
	[tilespmem:s17+$0x0] =	vst.add.f32.msk $0xffff, v8  }
0x1ad: {  	s26 =	sadd.s32 s6, s7;
	s28 =	sadd.s32 s21, s7;
	s17 =	sadd.s32 s22, s7;
	v7 =	vld [tilespmem:s25+$0x0]  }
0x1ae: {  	[tilespmem:s9+$0x0] =	vst.add.f32.msk $0xffff, v10  }
.Ltmp8:
0x1af: {  	[tilespmem:s15+$0x0] =	vst.add.f32.msk $0xffff, v11;
	(pc) =	sbr.rel @p0 .LBB2_20-.Ltmp8, $4  }
0x1b0: {  	s7 =	sadd.s32 $0x80, s16;
	[tilespmem:s19+$0x0] =	vst.add.f32.msk $0xffff, v9  }
0x1b1: {  	s15 =	sadd.s32 s21, s7;
	s19 =	sadd.s32 s6, s7;
	s6 =	sadd.s32 s20, s7;
	v8 =	vld [tilespmem:s26+$0x0]  }
0x1b2: {  	s16 =	sadd.s32 s22, s7;
	[tilespmem:s6+$0x0] =	vst.add.f32.msk $0xffff, v7  }
0x1b3: {  	s5 =	sadd.s32 $0x200, s5;
	s10 =	sadd.s32 $0x40, s10;
	v7 =	vld [tilespmem:s28+$0x0]  }
0x1b4: {  	v9 =	vld [tilespmem:s17+$0x0];
	_ =	sdelay $0x1  }
0x1b5: {  	[tilespmem:s4+$0x0] =	vst.add.f32.msk $0xffff, v6  }
0x1b6: {  	[tilespmem:s19+$0x0] =	vst.add.f32.msk $0xffff, v8  }
0x1b7: {  	[tilespmem:s15+$0x0] =	vst.add.f32.msk $0xffff, v7  }
0x1b8: {  	s2 =	simm.s32 $0x13130;
	s1 =	simm.s32 $0x0;
	[tilespmem:s16+$0x0] =	vst.add.f32.msk $0xffff, v9  }
0x1b9: {  	s0 =	sand.u32 $0xC0, s1;
	v6 =	vld [tilespmem:s2+$0xFFFFFED0]  }
0x1ba: {  	v7 =	vld [tilespmem:s0+$0x13100]  }
0x1bb: {  	v8 =	vld [tilespmem:s2+$0xFFFFFEE0]  }
0x1bc: {  	v9 =	vld [tilespmem:s2+$0xFFFFFFE0]  }
0x1bd: {  	s19 =	simm.s32 $0x13320;
	v10 =	vld [tilespmem:s2+$0xFFFFFEF0]  }
0x1be: {  	s10 =	sor.u32 $0x80, s14;
	v11 =	vld [tilespmem:s19+$0xFFFFFFE0]  }
0x1bf: {  	s7 =	simm.s32 $0x210;
	s3 =	simm.s32 $0x220;
	s8 =	simm.s32 $0x230;
	v15 =	vld [tilespmem:s2+$0xFFFFFF00];
	v12 =	vmul.f32 v6, v2;
	v13 =	vmul.f32 v7, v3  }
0x1c0: {  	s20 =	simm.s32 $0x0;
	s6 =	simm.s32 $0x1080;
	s9 =	simm.s32 $0x1100;
	v14 =	vld [tilespmem:s2+$0xFFFFFFF0];
	v6 =	vmul.f32 v6, v4;
	v7 =	vmul.f32 v7, v5  }
0x1c1: {  	s30 =	simm.s32 $0x13170;
	s29 =	simm.s32 $0x40;
	s31 =	simm.s32 $0x0;
	v16 =	vld [tilespmem:s2+$0x0];
	v60 =	vmul.f32 v8, v2;
	v17 =	vmul.f32 v9, v3  }
0x1c2: {  	s3 =	sand.u32 $0x60, s3;
	s4 =	sand.u32 $0x70, s8;
	s5 =	sand.u32 $0x400, s1;
	v9 =	vmul.f32 v9, v5;
	v18 =	vmul.f32 v10, v2;
	v12 =	vadd.f32 v13, v12  }
0x1c3: {  	s21 =	sadd.s32 s5, s18;
	s15 =	sand.u32 $0x1400, s6;
	s16 =	simm.s32 $0x1180;
	v10 =	vmul.f32 v10, v4;
	v6 =	vadd.f32 v7, v6;
	v7 =	vmul.f32 v8, v4;
	v8 =	vld [tilespmem:s19+$0xFFFFFFF0]  }
0x1c4: {  	s5 =	sadd.s32 s15, s18;
	s0 =	sand.u32 $0x50, s7;
	s7 =	sadd.s32 $0x1000, s21;
	v61 =	vmul.f32 v15, v2;
	v15 =	vmul.f32 v15, v4;
	v12 =	vadd.f32 v12, v11  }
0x1c5: {  	s2 =	sand.u32 $0x1400, s9;
	s6 =	sand.u32 $0x1400, s16;
	s9 =	sand.u32 $0x40, s1;
	v19 =	vld [tilespmem:s19+$0x0];
	v6 =	vadd.f32 v6, v11;
	v11 =	vmul.f32 v14, v3;
	v14 =	vmul.f32 v14, v5  }
0x1c6: {  	v20 =	vld [tilespmem:s19+$0x10];
	s22 =	sadd.s32 s14, s5;
	s5 =	sadd.s32 s10, s5;
	s17 =	sadd.s32 s14, s7;
	v13 =	vadd.f32 v17, v60;
	v7 =	vadd.f32 v9, v7;
	v9 =	vmul.f32 v16, v3  }
0x1c7: {  	s7 =	sadd.s32 s10, s7;
	s2 =	sadd.s32 s2, s18;
	s15 =	sadd.s32 s9, s17;
	v16 =	vmul.f32 v16, v5;
	v11 =	vadd.f32 v11, v18;
	v10 =	vadd.f32 v14, v10  }
0x1c8: {  	s6 =	sadd.s32 s6, s18;
	s7 =	sadd.s32 s9, s7;
	s25 =	sadd.s32 s14, s2;
	[tilespmem:s15+$0x0] =	vst.add.f32.msk $0xffff, v12;
	v62 =	vadd.f32 v9, v61;
	v13 =	vadd.f32 v13, v8  }
0x1c9: {  	s2 =	sadd.s32 s10, s2;
	s9 =	sadd.s32 s0, s22;
	s26 =	sadd.s32 s14, s6;
	[tilespmem:s7+$0x0] =	vst.add.f32.msk $0xffff, v6;
	v6 =	vadd.f32 v16, v15;
	v63 =	vadd.f32 v7, v8  }
0x1ca: {  	s6 =	sadd.s32 s10, s6;
	s0 =	sadd.s32 s0, s5;
	s16 =	sadd.s32 s3, s2;
	v9 =	vadd.f32 v11, v19;
	v7 =	vadd.f32 v10, v19;
	[tilespmem:s9+$0x0] =	vst.add.f32.msk $0xffff, v13  }
0x1cb: {  	s28 =	sadd.s32 s4, s26;
	s26 =	sadd.s32 s4, s6;
	s15 =	sadd.s32 s3, s25;
	v8 =	vadd.f32 v62, v20;
	v6 =	vadd.f32 v6, v20;
	[tilespmem:s0+$0x0] =	vst.add.f32.msk $0xffff, v63  }
.LBB2_22:
0x1cc: {  	v10 =	vld [tilespmem:s30+$0xFFFFFED0];
	s0 =	sand.u32 $0xC0, s29;
	s2 =	sadd.s32 $0x210, s29;
	s3 =	sadd.s32 $0x220, s29  }
0x1cd: {  	s20 =	sadd.s32 $0x4, s20;
	v11 =	vld [tilespmem:s0+$0x13100];
	s4 =	sand.u32 $0x50, s2;
	s0 =	sadd.s32 $0x230, s29  }
0x1ce: {  	s5 =	sand.u32 $0x60, s3;
	p0 =	slt.u32 s20, $0xC;
	v12 =	vld [tilespmem:s30+$0xFFFFFEE0];
	s0 =	sand.u32 $0x70, s0  }
0x1cf: {  	v13 =	vld [tilespmem:s30+$0xFFFFFFE0]  }
0x1d0: {  	s19 =	sadd.s32 $0x40, s19;
	v14 =	vld [tilespmem:s30+$0xFFFFFEF0]  }
0x1d1: {  	s17 =	simm.s32 $0x13230;
	s2 =	simm.s32 $0x13430;
	v15 =	vld [tilespmem:s19+$0xFFFFFFE0]  }
0x1d2: {  	s31 =	sadd.s32 $0x200, s31;
	s25 =	sand.u32 $0x40, s29;
	s3 =	simm.s32 $0x330;
	v16 =	vmul.f32 v10, v2;
	v17 =	vmul.f32 v11, v3;
	v18 =	vld [tilespmem:s30+$0xFFFFFFF0]  }
0x1d3: {  	s6 =	sand.u32 $0x400, s31;
	s7 =	sadd.s32 $0x1080, s31;
	s9 =	sadd.s32 $0x1100, s31;
	v10 =	vmul.f32 v10, v4;
	v11 =	vmul.f32 v11, v5;
	v19 =	vld [tilespmem:s30+$0xFFFFFF00]  }
0x1d4: {  	s22 =	sadd.s32 $0x1180, s31;
	s6 =	sadd.s32 s6, s18;
	s7 =	sand.u32 $0x1400, s7;
	v16 =	vadd.f32 v17, v16;
	v17 =	vmul.f32 v12, v2;
	v20 =	vmul.f32 v13, v3;
	v21 =	vld [tilespmem:s30+$0x0]  }
0x1d5: {  	s9 =	sand.u32 $0x1400, s9;
	s22 =	sand.u32 $0x1400, s22;
	s6 =	sadd.s32 $0x1000, s6;
	v10 =	vadd.f32 v11, v10;
	v12 =	vmul.f32 v12, v4;
	v13 =	vmul.f32 v13, v5;
	v11 =	vld [tilespmem:s19+$0xFFFFFFF0]  }
0x1d6: {  	s7 =	sadd.s32 s7, s18;
	s9 =	sadd.s32 s9, s18;
	s8 =	sadd.s32 s14, s6;
	v23 =	vmul.f32 v14, v2;
	v14 =	vmul.f32 v14, v4;
	v16 =	vadd.f32 v16, v15;
	v22 =	vld [tilespmem:s19+$0x0]  }
0x1d7: {  	s22 =	sadd.s32 s22, s18;
	s6 =	sadd.s32 s10, s6;
	s8 =	sadd.s32 s25, s8;
	v10 =	vadd.f32 v10, v15;
	v15 =	vmul.f32 v18, v3;
	v18 =	vmul.f32 v18, v5;
	v24 =	vld [tilespmem:s19+$0x10]  }
0x1d8: {  	s6 =	sadd.s32 s25, s6;
	s25 =	sadd.s32 s14, s22;
	[tilespmem:s8+$0x0] =	vst.add.f32.msk $0xffff, v16;
	v16 =	vadd.f32 v20, v17;
	s8 =	sadd.s32 s14, s7;
	v17 =	vmul.f32 v19, v2;
	v19 =	vmul.f32 v19, v4  }
0x1d9: {  	[tilespmem:s6+$0x0] =	vst.add.f32.msk $0xffff, v10;
	v10 =	vadd.f32 v13, v12;
	s6 =	sadd.s32 s10, s7;
	s7 =	sadd.s32 s14, s9;
	s9 =	sadd.s32 s10, s9;
	v12 =	vmul.f32 v21, v3;
	v13 =	vmul.f32 v21, v5  }
0x1da: {  	s22 =	sadd.s32 s10, s22;
	s8 =	sadd.s32 s4, s8;
	v15 =	vadd.f32 v15, v23;
	v14 =	vadd.f32 v18, v14;
	[tilespmem:s15+$0x0] =	vst.add.f32.msk $0xffff, v9;
	s4 =	sadd.s32 s4, s6  }
.Ltmp9:
0x1db: {  	s15 =	sadd.s32 s5, s7;
	v12 =	vadd.f32 v12, v17;
	v13 =	vadd.f32 v13, v19;
	[tilespmem:s16+$0x0] =	vst.add.f32.msk $0xffff, v7;
	s16 =	sadd.s32 s5, s9;
	(pc) =	sbr.rel @p0 .LBB2_22-.Ltmp9, $4  }
0x1dc: {  	v16 =	vadd.f32 v16, v11;
	v10 =	vadd.f32 v10, v11;
	s5 =	sadd.s32 s0, s22;
	[tilespmem:s28+$0x0] =	vst.add.f32.msk $0xffff, v8;
	s28 =	sadd.s32 s0, s25  }
0x1dd: {  	v9 =	vadd.f32 v15, v22;
	v7 =	vadd.f32 v14, v22;
	[tilespmem:s26+$0x0] =	vst.add.f32.msk $0xffff, v6;
	s26 =	smov.u32 s5  }
0x1de: {  	v8 =	vadd.f32 v12, v24;
	v6 =	vadd.f32 v13, v24;
	[tilespmem:s8+$0x0] =	vst.add.f32.msk $0xffff, v16  }
0x1df: {  	s29 =	sadd.s32 $0x40, s29;
	s30 =	sadd.s32 $0x40, s30;
	[tilespmem:s4+$0x0] =	vst.add.f32.msk $0xffff, v10  }
0x1e0: {  	[tilespmem:s15+$0x0] =	vst.add.f32.msk $0xffff, v9  }
0x1e1: {  	[tilespmem:s28+$0x0] =	vst.add.f32.msk $0xffff, v8  }
0x1e2: {  	s0 =	simm.s32 $0x0;
	[tilespmem:s16+$0x0] =	vst.add.f32.msk $0xffff, v7  }
0x1e3: {  	[tilespmem:s26+$0x0] =	vst.add.f32.msk $0xffff, v6;
	s4 =	sand.u32 $0xC0, s0  }
0x1e4: {  	v2 =	vld [tilespmem:s4+$0x13200];
	_ =	sdelay $0x1  }
0x1e5: {  	s5 =	simm.s32 $0x310;
	s6 =	simm.s32 $0x320;
	v6 =	vld [tilespmem:s4+$0x13400]  }
0x1e6: {  	s15 =	sand.u32 $0x70, s3;
	s19 =	simm.s32 $0x13270;
	s28 =	simm.s32 $0x1880;
	v7 =	vld [tilespmem:s17+$0xFFFFFFE0]  }
0x1e7: {  	s29 =	simm.s32 $0x1900;
	s30 =	simm.s32 $0x1980;
	s7 =	sadd.s32 $0x1800, s21;
	v3 =	vld [tilespmem:s2+$0xFFFFFFE0]  }
0x1e8: {  	s26 =	sand.u32 $0x50, s5;
	s16 =	simm.s32 $0x0;
	s20 =	sand.u32 $0x60, s6;
	v5 =	vld [tilespmem:s17+$0xFFFFFFF0];
	v8 =	vmul.f32 v2, v0  }
0x1e9: {  	s5 =	sand.u32 $0x1C00, s29;
	s6 =	sand.u32 $0x1C00, s30;
	s0 =	sand.u32 $0x40, s0;
	v4 =	vld [tilespmem:s2+$0xFFFFFFF0];
	v9 =	vmul.f32 v2, v1  }
0x1ea: {  	s8 =	sadd.s32 s14, s7;
	s7 =	sadd.s32 s10, s7;
	s4 =	sand.u32 $0x1C00, s28;
	v2 =	vld [tilespmem:s2+$0x0];
	v8 =	vadd.f32 v8, v6  }
0x1eb: {  	s8 =	sadd.s32 s0, s8;
	s9 =	sadd.s32 s5, s18;
	s31 =	sadd.s32 s0, s7;
	v11 =	vmul.f32 v7, v0;
	v10 =	vadd.f32 v9, v6;
	v6 =	vld [tilespmem:s17+$0x0]  }
0x1ec: {  	s0 =	sadd.s32 s6, s18;
	s4 =	sadd.s32 s4, s18;
	s5 =	sadd.s32 s14, s9;
	v9 =	vmul.f32 v7, v1;
	[tilespmem:s8+$0x0] =	vst.add.f32.msk $0xffff, v8  }
0x1ed: {  	s21 =	sadd.s32 s10, s4;
	s17 =	sadd.s32 s14, s4;
	v7 =	vadd.f32 v11, v3;
	s4 =	sadd.s32 s10, s9;
	v8 =	vmul.f32 v5, v0;
	[tilespmem:s31+$0x0] =	vst.add.f32.msk $0xffff, v10  }
.LBB2_24:
0x1ee: {  	v10 =	vld [tilespmem:s19+$0xFFFFFFE0];
	s6 =	sadd.s32 s26, s17;
	v3 =	vadd.f32 v9, v3;
	v5 =	vmul.f32 v5, v1;
	s7 =	sadd.s32 s14, s0;
	s0 =	sadd.s32 s10, s0  }
0x1ef: {  	s5 =	sadd.s32 s20, s5;
	s4 =	sadd.s32 s20, s4;
	[tilespmem:s6+$0x0] =	vst.add.f32.msk $0xffff, v7;
	s6 =	sadd.s32 s26, s21;
	v7 =	vadd.f32 v8, v4  }
0x1f0: {  	s3 =	sadd.s32 $0x40, s3;
	s0 =	sadd.s32 s15, s0;
	[tilespmem:s6+$0x0] =	vst.add.f32.msk $0xffff, v3;
	v3 =	vadd.f32 v5, v4;
	v4 =	vmul.f32 v6, v0;
	s6 =	sadd.s32 s15, s7  }
0x1f1: {  	s8 =	sadd.s32 $0xFFFFFFE0, s3;
	s9 =	sadd.s32 $0xFFFFFFF0, s3;
	s7 =	sadd.s32 $0xFFFFFCD0, s3;
	[tilespmem:s5+$0x0] =	vst.add.f32.msk $0xffff, v7  }
0x1f2: {  	s16 =	sadd.s32 $0x4, s16;
	s26 =	sand.u32 $0x50, s8;
	s5 =	sand.u32 $0xC0, s7;
	[tilespmem:s4+$0x0] =	vst.add.f32.msk $0xffff, v3;
	v3 =	vadd.f32 v4, v2;
	v4 =	vmul.f32 v6, v1  }
0x1f3: {  	p0 =	slt.u32 s16, $0xC;
	s20 =	sand.u32 $0x60, s9;
	s15 =	sand.u32 $0x70, s3;
	v6 =	vld [tilespmem:s5+$0x13200]  }
0x1f4: {  	s4 =	smov.u32 s19;
	[tilespmem:s6+$0x0] =	vst.add.f32.msk $0xffff, v3;
	v2 =	vadd.f32 v4, v2  }
0x1f5: {  	s1 =	sadd.s32 $0x200, s1;
	v7 =	vld [tilespmem:s5+$0x13400]  }
0x1f6: {  	s2 =	sadd.s32 $0x40, s2;
	s8 =	sadd.s32 $0x1980, s1;
	s19 =	sadd.s32 $0x40, s19;
	[tilespmem:s0+$0x0] =	vst.add.f32.msk $0xffff, v2  }
0x1f7: {  	s6 =	sadd.s32 $0x1900, s1;
	s5 =	sadd.s32 $0x1880, s1;
	s0 =	sand.u32 $0x400, s1;
	v3 =	vld [tilespmem:s2+$0xFFFFFFE0]  }
0x1f8: {  	s8 =	sand.u32 $0x1C00, s8;
	s5 =	sand.u32 $0x1C00, s5;
	s0 =	sadd.s32 s0, s18;
	v2 =	vmul.f32 v6, v0;
	v5 =	vld [tilespmem:s4+$0xFFFFFFF0]  }
.Ltmp10:
0x1f9: {  	s6 =	sand.u32 $0x1C00, s6;
	s0 =	sadd.s32 $0x1800, s0;
	v6 =	vmul.f32 v6, v1;
	v4 =	vld [tilespmem:s2+$0xFFFFFFF0];
	(pc) =	sbr.rel @p0 .LBB2_24-.Ltmp10, $4  }
0x1fa: {  	s7 =	sand.u32 $0x40, s7;
	s5 =	sadd.s32 s5, s18;
	s9 =	sadd.s32 s14, s0;
	v8 =	vadd.f32 v2, v7;
	v2 =	vld [tilespmem:s2+$0x0]  }
0x1fb: {  	v11 =	vmul.f32 v10, v0;
	s6 =	sadd.s32 s6, s18;
	s0 =	sadd.s32 s10, s0;
	s9 =	sadd.s32 s7, s9;
	v7 =	vadd.f32 v6, v7;
	v6 =	vld [tilespmem:s4+$0x0]  }
0x1fc: {  	v9 =	vmul.f32 v10, v1;
	s17 =	sadd.s32 s14, s5;
	s4 =	sadd.s32 s7, s0;
	s0 =	sadd.s32 s8, s18;
	[tilespmem:s9+$0x0] =	vst.add.f32.msk $0xffff, v8  }
0x1fd: {  	s21 =	sadd.s32 s10, s5;
	s5 =	sadd.s32 s14, s6;
	[tilespmem:s4+$0x0] =	vst.add.f32.msk $0xffff, v7;
	v7 =	vadd.f32 v11, v3;
	v8 =	vmul.f32 v5, v0;
	s4 =	sadd.s32 s10, s6  }
0x1fe: {  	_ = 	snop  }
0x1ff: {  	s1 =	sadd.s32 s26, s17;
	v3 =	vadd.f32 v9, v3;
	v5 =	vmul.f32 v5, v1  }
0x200: {  	s28 =	sadd.s32 s26, s21;
	p0 =	slt.u32 s13, $0xE;
	[tilespmem:s1+$0x0] =	vst.add.f32.msk $0xffff, v7;
	v61 =	vadd.f32 v8, v4;
	v0 =	vmul.f32 v6, v0  }
.Ltmp11:
0x201: {  	s2 =	sadd.s32 s20, s5;
	[tilespmem:s28+$0x0] =	vst.add.f32.msk $0xffff, v3;
	v62 =	vadd.f32 v5, v4;
	v63 =	vmul.f32 v6, v1;
	(pc) =	sbr.rel @p0 .LBB2_19-.Ltmp11, $4  }
0x202: {  	s29 =	sadd.s32 s14, s0;
	s3 =	sadd.s32 s20, s4;
	[tilespmem:s2+$0x0] =	vst.add.f32.msk $0xffff, v61;
	v0 =	vadd.f32 v0, v2  }
0x203: {  	s30 =	sadd.s32 s10, s0;
	s1 =	sadd.s32 s15, s29;
	[tilespmem:s3+$0x0] =	vst.add.f32.msk $0xffff, v62;
	v1 =	vadd.f32 v63, v2  }
0x204: {  	s31 =	sadd.s32 $0x2, s13;
	s0 =	sadd.s32 s15, s30;
	[tilespmem:s1+$0x0] =	vst.add.f32.msk $0xffff, v0  }
0x205: {  	s13 =	smov.u32 s31;
	[tilespmem:s0+$0x0] =	vst.add.f32.msk $0xffff, v1  }
0x206: {  	s0 =	rddreg [dreg:$0x8]  }
0x207: {  	s1 =	rddreg [dreg:$0x5];
	s0 =	sadd.s32 s0, s11  }
0x208: {  	s26 =	simm.s32 $0x0;
	s28 =	rddreg [dreg:$0x15];
	s0 =	sshll.u32 s0, $0x7  }
0x209: {  	s2 =	simm.s32 $0x8000;
	p0 =	sgt.u32 s28, $0xC;
	s0 =	sadd.s32 s1, s0  }
0x20a: {  	[hbm4b:s0+s26] =	stream.linear.scatter [tilespmem:s2], [sflag:$0x7], $0x4000, $0x38;
	[tilespmem:$0x13A80] =	vst v63  }
0x20b: {  	s0 =	simm.s32 @!p0 $0x6  }
0x20c: {  	_ =	swait.ge @!p0 [sflag:s0], $0x4000  }
0x20d: {  	[sflag:s0] =	ssyncset.done @!p0 $0x0;
	s1 =	rddreg [dreg:$0xf]  }
0x20e: {  	s1 =	sadd.s32 @!p0 s23, s1;
	[sflag:s0] =	ssyncadd.s32 @!p0 $0xFFFFC000  }
0x20f: {  	s31 =	simm.s32 $0x4;
	s0 =	sshll.u32 @!p0 s1, $0x7;
	s1 =	rddreg [dreg:$0x4]  }
0x210: {  	s2 =	simm.s32 @!p0 $0x4000;
	s0 =	sadd.s32 @!p0 s1, s0;
	s1 =	simm.s32 @!p0 $0x0  }
0x211: {  	[tilespmem:s2], [sflag:$0x2] =	stream.linear.gather @!p0 [hbm4b:s0+s1], $0x4000, $0x38;
	[tilespmem:$0x13A80] =	vst v63  }
0x212: {  	s12 =	simm.s32 $0x0;
	s29 =	rddreg [dreg:$0x14];
	_ =	swait.ge [sflag:s31], $0x4000  }
0x213: {  	s13 =	simm.s32 $0x0;
	s30 =	sor.u32 $0x3, s29;
	[sflag:s31] =	ssyncset.done $0x0  }
0x214: {  	s11 =	sshll.u32 s30, $0x4;
	[dreg:$0x16] =	wrdreg s30;
	[sflag:s31] =	ssyncadd.s32 $0xFFFFC000  }
.LBB2_27:
0x215: {  	s0 =	sor.u32 s11, s13  }
0x216: {  	v0 =	vld [tilespmem:s0+$0x13900];
	_ =	sdelay $0x4  }
0x217: {  	(v2sf) =	vpush v0, $0x0  }
0x218: {  	v1 =	vld [tilespmem:s0+$0x13901];
	_ =	sdelay $0x4  }
0x219: {  	(v2sf) =	vpush v1, $0x0;
	_ =	sdelay $0x3  }
0x21a: {  	s0 =	sshll.u32 s0, $0x2  }
0x21b: {  	v0 =	vmov s0  }
0x21c: {  	v1 =	vor.u32 $0x1, v0  }
0x21d: {  	s0 =	sor.u32 $0x4, s0;
	v3 =	vor.u32 $0x2, v0  }
0x21e: {  	v4 =	vmov s0;
	v0 =	vor.u32 $0x3, v0  }
0x21f: {  	v5 =	vor.u32 $0x1, v4;
	s28 =	spop (v2sf)  }
0x220: {  	s29 =	sshll.u32 s13, $0xA;
	v6 =	vor.u32 $0x2, v4;
	s1 =	sshll.u32 s28, $0x9;
	s0 =	sshll.u32 s28, $0x7  }
0x221: {  	s4 =	sshll.u32 s13, $0x7;
	v2 =	vld.idx.msk [tilespmem:v1+s24+$0x0], $0xffff;
	s1 =	sand.u32 $0xFFFFF000, s1;
	s0 =	sand.u32 $0x380, s0  }
0x222: {  	s30 =	sand.u32 $0x40, s12;
	v3 =	vld.idx.msk [tilespmem:v3+s24+$0x0], $0xffff;
	s0 =	sor.u32 s0, s1;
	s1 =	sand.u32 $0x2000, s29  }
0x223: {  	s31 =	sand.u32 $0xC00, s12;
	v1 =	vor.u32 $0x3, v4;
	v0 =	vld.idx.msk [tilespmem:v0+s24+$0x0], $0xffff;
	s18 =	sor.u32 $0xC000, s1;
	s1 =	sadd.s32 $0x10000, s0  }
0x224: {  	s14 =	sand.u32 $0x300, s4;
	s6 =	sor.u32 $0x30, s30;
	v4 =	vld.idx.msk [tilespmem:v5+s24+$0x0], $0xffff;
	s5 =	sadd.s32 s31, s1  }
0x225: {  	s10 =	sor.u32 $0x20, s30;
	v5 =	vld.idx.msk [tilespmem:v6+s24+$0x0], $0xffff;
	s2 =	spop (v2sf);
	s7 =	sadd.s32 s6, s5  }
0x226: {  	s3 =	sshll.u32 s2, $0x9;
	s2 =	sshll.u32 s2, $0x7;
	s9 =	sadd.s32 s30, s5;
	v6 =	vld [tilespmem:s7+$0x0]  }
0x227: {  	s3 =	sand.u32 $0xFFFFF000, s3;
	s2 =	sand.u32 $0x380, s2;
	s7 =	sor.u32 $0x10, s30;
	v7 =	vld [tilespmem:s9+$0x0]  }
0x228: {  	v1 =	vld.idx.msk [tilespmem:v1+s24+$0x0], $0xffff;
	s2 =	sor.u32 s2, s3;
	s3 =	sor.u32 s14, s18;
	s15 =	sadd.s32 s7, s5  }
0x229: {  	s8 =	sadd.s32 s31, s3;
	s5 =	sadd.s32 s10, s5;
	v8 =	vld [tilespmem:s15+$0x0]  }
0x22a: {  	s2 =	sadd.s32 $0x10000, s2;
	s16 =	sadd.s32 s6, s8;
	v9 =	vld [tilespmem:s5+$0x0]  }
0x22b: {  	s4 =	sadd.s32 s31, s2;
	s19 =	sadd.s32 s30, s8;
	[tilespmem:s16+$0x0] =	vst.add.f32.msk $0xffff, v6  }
0x22c: {  	s28 =	simm.s32 $0x200;
	s29 =	simm.s32 $0x40;
	s17 =	sadd.s32 s6, s4;
	[tilespmem:s19+$0x0] =	vst.add.f32.msk $0xffff, v7  }
0x22d: {  	s21 =	sadd.s32 s30, s4;
	s22 =	sadd.s32 s10, s8;
	s9 =	sadd.s32 $0x80, s8;
	v6 =	vld [tilespmem:s17+$0x0]  }
0x22e: {  	s20 =	sadd.s32 s7, s8;
	s25 =	sadd.s32 s6, s9;
	s5 =	sand.u32 $0xC00, s28;
	v7 =	vld [tilespmem:s21+$0x0]  }
0x22f: {  	s6 =	sand.u32 $0x40, s29;
	s0 =	sadd.s32 s30, s9;
	s30 =	sadd.s32 s5, s1;
	[tilespmem:s20+$0x0] =	vst.add.f32.msk $0xffff, v8  }
0x230: {  	s31 =	sadd.s32 s6, s30;
	[tilespmem:s22+$0x0] =	vst.add.f32.msk $0xffff, v9  }
0x231: {  	s26 =	sadd.s32 s7, s4;
	s20 =	sor.u32 $0x10, s6;
	v9 =	vld [tilespmem:s31+$0x0]  }
0x232: {  	v8 =	vld [tilespmem:s26+$0x0];
	s17 =	sadd.s32 s20, s30  }
0x233: {  	s15 =	sor.u32 $0x30, s6;
	v10 =	vld [tilespmem:s17+$0x0]  }
0x234: {  	s16 =	sadd.s32 s15, s30;
	[tilespmem:s0+$0x0] =	vst.add.f32.msk $0xffff, v7  }
0x235: {  	v7 =	vld [tilespmem:s16+$0x0]  }
0x236: {  	s4 =	sadd.s32 s10, s4;
	s19 =	sadd.s32 s5, s3;
	[tilespmem:s25+$0x0] =	vst.add.f32.msk $0xffff, v6  }
0x237: {  	v6 =	vld [tilespmem:s4+$0x0];
	s16 =	sor.u32 $0x20, s6;
	s25 =	sadd.s32 s6, s19  }
0x238: {  	s8 =	sadd.s32 s16, s30;
	[tilespmem:s25+$0x0] =	vst.add.f32.msk $0xffff, v9  }
0x239: {  	s5 =	sadd.s32 s5, s2;
	s21 =	sadd.s32 s15, s19;
	v11 =	vld [tilespmem:s8+$0x0]  }
0x23a: {  	s22 =	sadd.s32 s15, s5;
	[tilespmem:s21+$0x0] =	vst.add.f32.msk $0xffff, v7  }
0x23b: {  	s17 =	sadd.s32 s7, s9;
	v7 =	vld [tilespmem:s22+$0x0]  }
0x23c: {  	s29 =	sadd.s32 s6, s5;
	[tilespmem:s17+$0x0] =	vst.add.f32.msk $0xffff, v8  }
0x23d: {  	s26 =	sadd.s32 s20, s19;
	s7 =	sadd.s32 $0x80, s19;
	v8 =	vld [tilespmem:s29+$0x0]  }
0x23e: {  	s31 =	sadd.s32 s15, s7;
	s28 =	sadd.s32 s16, s19;
	[tilespmem:s26+$0x0] =	vst.add.f32.msk $0xffff, v10  }
0x23f: {  	s15 =	sadd.s32 s20, s7;
	s4 =	sadd.s32 s10, s9;
	s0 =	simm.s32 $0x4;
	[tilespmem:s28+$0x0] =	vst.add.f32.msk $0xffff, v11  }
0x240: {  	s10 =	simm.s32 $0x80;
	s30 =	sadd.s32 s20, s5;
	s19 =	sadd.s32 s6, s7;
	[tilespmem:s31+$0x0] =	vst.add.f32.msk $0xffff, v7  }
0x241: {  	s17 =	sadd.s32 s16, s5;
	s16 =	sadd.s32 s16, s7;
	s5 =	simm.s32 $0x400;
	v7 =	vld [tilespmem:s30+$0x0]  }
.LBB2_28:
0x242: {  	s6 =	sand.u32 $0x40, s10;
	s7 =	sand.u32 $0xC00, s5;
	s0 =	sadd.s32 $0x4, s0;
	v9 =	vld [tilespmem:s17+$0x0]  }
0x243: {  	s9 =	sadd.s32 s7, s1;
	s20 =	sor.u32 $0x30, s6;
	p0 =	slt.u32 s0, $0x1C;
	[tilespmem:s4+$0x0] =	vst.add.f32.msk $0xffff, v6  }
0x244: {  	s21 =	sor.u32 $0x10, s6;
	s22 =	sor.u32 $0x20, s6;
	s4 =	sadd.s32 s20, s9;
	[tilespmem:s19+$0x0] =	vst.add.f32.msk $0xffff, v8  }
0x245: {  	s17 =	sadd.s32 s6, s9;
	s19 =	sadd.s32 s21, s9;
	s9 =	sadd.s32 s22, s9;
	v8 =	vld [tilespmem:s4+$0x0]  }
0x246: {  	s4 =	smov.u32 s16;
	v10 =	vld [tilespmem:s17+$0x0]  }
0x247: {  	v11 =	vld [tilespmem:s19+$0x0];
	v6 =	vmov v9  }
0x248: {  	s16 =	sadd.s32 s7, s3;
	v9 =	vld [tilespmem:s9+$0x0]  }
0x249: {  	s7 =	sadd.s32 s7, s2;
	s17 =	sadd.s32 s20, s16;
	s9 =	sadd.s32 s6, s16;
	[tilespmem:s15+$0x0] =	vst.add.f32.msk $0xffff, v7  }
0x24a: {  	s25 =	sadd.s32 s20, s7;
	s19 =	sadd.s32 s22, s16;
	s15 =	sadd.s32 s21, s16;
	[tilespmem:s17+$0x0] =	vst.add.f32.msk $0xffff, v8  }
0x24b: {  	s26 =	sadd.s32 s6, s7;
	s28 =	sadd.s32 s21, s7;
	s17 =	sadd.s32 s22, s7;
	v7 =	vld [tilespmem:s25+$0x0]  }
0x24c: {  	[tilespmem:s9+$0x0] =	vst.add.f32.msk $0xffff, v10  }
.Ltmp12:
0x24d: {  	[tilespmem:s15+$0x0] =	vst.add.f32.msk $0xffff, v11;
	(pc) =	sbr.rel @p0 .LBB2_28-.Ltmp12, $4  }
0x24e: {  	s7 =	sadd.s32 $0x80, s16;
	[tilespmem:s19+$0x0] =	vst.add.f32.msk $0xffff, v9  }
0x24f: {  	s15 =	sadd.s32 s21, s7;
	s19 =	sadd.s32 s6, s7;
	s6 =	sadd.s32 s20, s7;
	v8 =	vld [tilespmem:s26+$0x0]  }
0x250: {  	s16 =	sadd.s32 s22, s7;
	[tilespmem:s6+$0x0] =	vst.add.f32.msk $0xffff, v7  }
0x251: {  	s5 =	sadd.s32 $0x200, s5;
	s10 =	sadd.s32 $0x40, s10;
	v7 =	vld [tilespmem:s28+$0x0]  }
0x252: {  	v9 =	vld [tilespmem:s17+$0x0];
	_ =	sdelay $0x1  }
0x253: {  	[tilespmem:s4+$0x0] =	vst.add.f32.msk $0xffff, v6  }
0x254: {  	[tilespmem:s19+$0x0] =	vst.add.f32.msk $0xffff, v8  }
0x255: {  	[tilespmem:s15+$0x0] =	vst.add.f32.msk $0xffff, v7  }
0x256: {  	s2 =	simm.s32 $0x13130;
	s1 =	simm.s32 $0x0;
	[tilespmem:s16+$0x0] =	vst.add.f32.msk $0xffff, v9  }
0x257: {  	s0 =	sand.u32 $0xC0, s1;
	v6 =	vld [tilespmem:s2+$0xFFFFFED0]  }
0x258: {  	v7 =	vld [tilespmem:s0+$0x13100]  }
0x259: {  	v8 =	vld [tilespmem:s2+$0xFFFFFEE0]  }
0x25a: {  	v9 =	vld [tilespmem:s2+$0xFFFFFFE0]  }
0x25b: {  	s19 =	simm.s32 $0x13320;
	v10 =	vld [tilespmem:s2+$0xFFFFFEF0]  }
0x25c: {  	s10 =	sor.u32 $0x80, s14;
	v11 =	vld [tilespmem:s19+$0xFFFFFFE0]  }
0x25d: {  	s8 =	simm.s32 $0x210;
	s3 =	simm.s32 $0x220;
	s9 =	simm.s32 $0x230;
	v15 =	vld [tilespmem:s2+$0xFFFFFF00];
	v12 =	vmul.f32 v6, v2;
	v13 =	vmul.f32 v7, v3  }
0x25e: {  	s20 =	simm.s32 $0x0;
	s6 =	simm.s32 $0x1080;
	s17 =	simm.s32 $0x1180;
	v14 =	vld [tilespmem:s2+$0xFFFFFFF0];
	v6 =	vmul.f32 v6, v4;
	v7 =	vmul.f32 v7, v5  }
0x25f: {  	s28 =	simm.s32 $0x13170;
	s29 =	simm.s32 $0x40;
	s5 =	sand.u32 $0x400, s1;
	v16 =	vld [tilespmem:s2+$0x0];
	v60 =	vmul.f32 v8, v2;
	v17 =	vmul.f32 v9, v3  }
0x260: {  	s30 =	simm.s32 $0x0;
	s3 =	sand.u32 $0x60, s3;
	s21 =	sadd.s32 s5, s18;
	v9 =	vmul.f32 v9, v5;
	v18 =	vmul.f32 v10, v2;
	v12 =	vadd.f32 v13, v12  }
0x261: {  	s4 =	sand.u32 $0x70, s9;
	s9 =	sand.u32 $0x40, s1;
	s7 =	sadd.s32 $0x1000, s21;
	v10 =	vmul.f32 v10, v4;
	v6 =	vadd.f32 v7, v6;
	v7 =	vmul.f32 v8, v4;
	v8 =	vld [tilespmem:s19+$0xFFFFFFF0]  }
0x262: {  	s15 =	simm.s32 $0x1100;
	s22 =	sadd.s32 s14, s7;
	s7 =	sadd.s32 s10, s7;
	v61 =	vmul.f32 v15, v2;
	v15 =	vmul.f32 v15, v4;
	v12 =	vadd.f32 v12, v11  }
0x263: {  	s16 =	sand.u32 $0x1400, s6;
	s6 =	sand.u32 $0x1400, s17;
	s7 =	sadd.s32 s9, s7;
	v19 =	vld [tilespmem:s19+$0x0];
	v6 =	vadd.f32 v6, v11;
	v11 =	vmul.f32 v14, v3;
	v14 =	vmul.f32 v14, v5  }
0x264: {  	s0 =	sand.u32 $0x50, s8;
	s2 =	sand.u32 $0x1400, s15;
	s5 =	sadd.s32 s16, s18;
	v20 =	vld [tilespmem:s19+$0x10];
	v13 =	vadd.f32 v17, v60;
	v7 =	vadd.f32 v9, v7;
	v9 =	vmul.f32 v16, v3  }
0x265: {  	s15 =	sadd.s32 s9, s22;
	s6 =	sadd.s32 s6, s18;
	s2 =	sadd.s32 s2, s18;
	v16 =	vmul.f32 v16, v5;
	v11 =	vadd.f32 v11, v18;
	v10 =	vadd.f32 v14, v10  }
0x266: {  	s25 =	sadd.s32 s14, s5;
	s5 =	sadd.s32 s10, s5;
	s31 =	sadd.s32 s14, s6;
	[tilespmem:s15+$0x0] =	vst.add.f32.msk $0xffff, v12;
	v62 =	vadd.f32 v9, v61;
	v13 =	vadd.f32 v13, v8  }
0x267: {  	s6 =	sadd.s32 s10, s6;
	s26 =	sadd.s32 s14, s2;
	s9 =	sadd.s32 s0, s25;
	[tilespmem:s7+$0x0] =	vst.add.f32.msk $0xffff, v6;
	v6 =	vadd.f32 v16, v15;
	v63 =	vadd.f32 v7, v8  }
0x268: {  	s2 =	sadd.s32 s10, s2;
	s0 =	sadd.s32 s0, s5;
	s25 =	sadd.s32 s4, s6;
	v9 =	vadd.f32 v11, v19;
	v7 =	vadd.f32 v10, v19;
	[tilespmem:s9+$0x0] =	vst.add.f32.msk $0xffff, v13  }
0x269: {  	s16 =	sadd.s32 s3, s2;
	s15 =	sadd.s32 s3, s26;
	s26 =	sadd.s32 s4, s31;
	v8 =	vadd.f32 v62, v20;
	v6 =	vadd.f32 v6, v20;
	[tilespmem:s0+$0x0] =	vst.add.f32.msk $0xffff, v63  }
.LBB2_30:
0x26a: {  	v10 =	vld [tilespmem:s28+$0xFFFFFED0];
	s0 =	sand.u32 $0xC0, s29;
	s2 =	sadd.s32 $0x210, s29;
	s3 =	sadd.s32 $0x220, s29  }
0x26b: {  	s20 =	sadd.s32 $0x4, s20;
	v11 =	vld [tilespmem:s0+$0x13100];
	s4 =	sand.u32 $0x50, s2;
	s0 =	sadd.s32 $0x230, s29  }
0x26c: {  	s5 =	sand.u32 $0x60, s3;
	p0 =	slt.u32 s20, $0xC;
	v12 =	vld [tilespmem:s28+$0xFFFFFEE0];
	s0 =	sand.u32 $0x70, s0  }
0x26d: {  	v13 =	vld [tilespmem:s28+$0xFFFFFFE0]  }
0x26e: {  	s19 =	sadd.s32 $0x40, s19;
	v14 =	vld [tilespmem:s28+$0xFFFFFEF0]  }
0x26f: {  	s17 =	simm.s32 $0x13230;
	s2 =	simm.s32 $0x13430;
	v15 =	vld [tilespmem:s19+$0xFFFFFFE0]  }
0x270: {  	s30 =	sadd.s32 $0x200, s30;
	s31 =	sand.u32 $0x40, s29;
	s3 =	simm.s32 $0x330;
	v16 =	vmul.f32 v10, v2;
	v17 =	vmul.f32 v11, v3;
	v18 =	vld [tilespmem:s28+$0xFFFFFFF0]  }
0x271: {  	s6 =	sand.u32 $0x400, s30;
	s7 =	sadd.s32 $0x1080, s30;
	s9 =	sadd.s32 $0x1100, s30;
	v10 =	vmul.f32 v10, v4;
	v11 =	vmul.f32 v11, v5;
	v19 =	vld [tilespmem:s28+$0xFFFFFF00]  }
0x272: {  	s22 =	sadd.s32 $0x1180, s30;
	s6 =	sadd.s32 s6, s18;
	s7 =	sand.u32 $0x1400, s7;
	v16 =	vadd.f32 v17, v16;
	v17 =	vmul.f32 v12, v2;
	v20 =	vmul.f32 v13, v3;
	v21 =	vld [tilespmem:s28+$0x0]  }
0x273: {  	s9 =	sand.u32 $0x1400, s9;
	s22 =	sand.u32 $0x1400, s22;
	s6 =	sadd.s32 $0x1000, s6;
	v10 =	vadd.f32 v11, v10;
	v12 =	vmul.f32 v12, v4;
	v13 =	vmul.f32 v13, v5;
	v11 =	vld [tilespmem:s19+$0xFFFFFFF0]  }
0x274: {  	s7 =	sadd.s32 s7, s18;
	s9 =	sadd.s32 s9, s18;
	s8 =	sadd.s32 s14, s6;
	v23 =	vmul.f32 v14, v2;
	v14 =	vmul.f32 v14, v4;
	v16 =	vadd.f32 v16, v15;
	v22 =	vld [tilespmem:s19+$0x0]  }
0x275: {  	s22 =	sadd.s32 s22, s18;
	s6 =	sadd.s32 s10, s6;
	s8 =	sadd.s32 s31, s8;
	v10 =	vadd.f32 v10, v15;
	v15 =	vmul.f32 v18, v3;
	v18 =	vmul.f32 v18, v5;
	v24 =	vld [tilespmem:s19+$0x10]  }
0x276: {  	s6 =	sadd.s32 s31, s6;
	s31 =	sadd.s32 s14, s22;
	[tilespmem:s8+$0x0] =	vst.add.f32.msk $0xffff, v16;
	v16 =	vadd.f32 v20, v17;
	s8 =	sadd.s32 s14, s7;
	v17 =	vmul.f32 v19, v2;
	v19 =	vmul.f32 v19, v4  }
0x277: {  	[tilespmem:s6+$0x0] =	vst.add.f32.msk $0xffff, v10;
	v10 =	vadd.f32 v13, v12;
	s6 =	sadd.s32 s10, s7;
	s7 =	sadd.s32 s14, s9;
	s9 =	sadd.s32 s10, s9;
	v12 =	vmul.f32 v21, v3;
	v13 =	vmul.f32 v21, v5  }
0x278: {  	s22 =	sadd.s32 s10, s22;
	s8 =	sadd.s32 s4, s8;
	v15 =	vadd.f32 v15, v23;
	v14 =	vadd.f32 v18, v14;
	[tilespmem:s15+$0x0] =	vst.add.f32.msk $0xffff, v9;
	s4 =	sadd.s32 s4, s6  }
.Ltmp13:
0x279: {  	s15 =	sadd.s32 s5, s7;
	v12 =	vadd.f32 v12, v17;
	v13 =	vadd.f32 v13, v19;
	[tilespmem:s16+$0x0] =	vst.add.f32.msk $0xffff, v7;
	s16 =	sadd.s32 s5, s9;
	(pc) =	sbr.rel @p0 .LBB2_30-.Ltmp13, $4  }
0x27a: {  	v16 =	vadd.f32 v16, v11;
	v10 =	vadd.f32 v10, v11;
	s5 =	sadd.s32 s0, s22;
	[tilespmem:s26+$0x0] =	vst.add.f32.msk $0xffff, v8;
	s26 =	sadd.s32 s0, s31  }
0x27b: {  	v9 =	vadd.f32 v15, v22;
	v7 =	vadd.f32 v14, v22;
	[tilespmem:s25+$0x0] =	vst.add.f32.msk $0xffff, v6;
	s25 =	smov.u32 s5  }
0x27c: {  	v8 =	vadd.f32 v12, v24;
	v6 =	vadd.f32 v13, v24;
	[tilespmem:s8+$0x0] =	vst.add.f32.msk $0xffff, v16  }
0x27d: {  	s29 =	sadd.s32 $0x40, s29;
	s28 =	sadd.s32 $0x40, s28;
	[tilespmem:s4+$0x0] =	vst.add.f32.msk $0xffff, v10  }
0x27e: {  	[tilespmem:s15+$0x0] =	vst.add.f32.msk $0xffff, v9  }
0x27f: {  	[tilespmem:s26+$0x0] =	vst.add.f32.msk $0xffff, v8  }
0x280: {  	s0 =	simm.s32 $0x0;
	[tilespmem:s16+$0x0] =	vst.add.f32.msk $0xffff, v7  }
0x281: {  	[tilespmem:s25+$0x0] =	vst.add.f32.msk $0xffff, v6;
	s4 =	sand.u32 $0xC0, s0  }
0x282: {  	v2 =	vld [tilespmem:s4+$0x13200];
	_ =	sdelay $0x1  }
0x283: {  	s5 =	simm.s32 $0x310;
	s6 =	simm.s32 $0x320;
	v6 =	vld [tilespmem:s4+$0x13400]  }
0x284: {  	s15 =	sand.u32 $0x70, s3;
	s19 =	simm.s32 $0x13270;
	s28 =	simm.s32 $0x1880;
	v7 =	vld [tilespmem:s17+$0xFFFFFFE0]  }
0x285: {  	s29 =	simm.s32 $0x1900;
	s30 =	simm.s32 $0x1980;
	s7 =	sadd.s32 $0x1800, s21;
	v3 =	vld [tilespmem:s2+$0xFFFFFFE0]  }
0x286: {  	s25 =	sand.u32 $0x50, s5;
	s16 =	simm.s32 $0x0;
	s20 =	sand.u32 $0x60, s6;
	v5 =	vld [tilespmem:s17+$0xFFFFFFF0];
	v8 =	vmul.f32 v2, v0  }
0x287: {  	s5 =	sand.u32 $0x1C00, s29;
	s6 =	sand.u32 $0x1C00, s30;
	s0 =	sand.u32 $0x40, s0;
	v4 =	vld [tilespmem:s2+$0xFFFFFFF0];
	v9 =	vmul.f32 v2, v1  }
0x288: {  	s8 =	sadd.s32 s14, s7;
	s7 =	sadd.s32 s10, s7;
	s4 =	sand.u32 $0x1C00, s28;
	v2 =	vld [tilespmem:s2+$0x0];
	v8 =	vadd.f32 v8, v6  }
0x289: {  	s8 =	sadd.s32 s0, s8;
	s9 =	sadd.s32 s5, s18;
	s31 =	sadd.s32 s0, s7;
	v11 =	vmul.f32 v7, v0;
	v10 =	vadd.f32 v9, v6;
	v6 =	vld [tilespmem:s17+$0x0]  }
0x28a: {  	s0 =	sadd.s32 s6, s18;
	s4 =	sadd.s32 s4, s18;
	s5 =	sadd.s32 s14, s9;
	v9 =	vmul.f32 v7, v1;
	[tilespmem:s8+$0x0] =	vst.add.f32.msk $0xffff, v8  }
0x28b: {  	s21 =	sadd.s32 s10, s4;
	s17 =	sadd.s32 s14, s4;
	v7 =	vadd.f32 v11, v3;
	s4 =	sadd.s32 s10, s9;
	v8 =	vmul.f32 v5, v0;
	[tilespmem:s31+$0x0] =	vst.add.f32.msk $0xffff, v10  }
.LBB2_32:
0x28c: {  	v10 =	vld [tilespmem:s19+$0xFFFFFFE0];
	s6 =	sadd.s32 s25, s17;
	v3 =	vadd.f32 v9, v3;
	v5 =	vmul.f32 v5, v1;
	s7 =	sadd.s32 s14, s0;
	s0 =	sadd.s32 s10, s0  }
0x28d: {  	s5 =	sadd.s32 s20, s5;
	s4 =	sadd.s32 s20, s4;
	[tilespmem:s6+$0x0] =	vst.add.f32.msk $0xffff, v7;
	s6 =	sadd.s32 s25, s21;
	v7 =	vadd.f32 v8, v4  }
0x28e: {  	s3 =	sadd.s32 $0x40, s3;
	s0 =	sadd.s32 s15, s0;
	[tilespmem:s6+$0x0] =	vst.add.f32.msk $0xffff, v3;
	v3 =	vadd.f32 v5, v4;
	v4 =	vmul.f32 v6, v0;
	s6 =	sadd.s32 s15, s7  }
0x28f: {  	s8 =	sadd.s32 $0xFFFFFFE0, s3;
	s9 =	sadd.s32 $0xFFFFFFF0, s3;
	s7 =	sadd.s32 $0xFFFFFCD0, s3;
	[tilespmem:s5+$0x0] =	vst.add.f32.msk $0xffff, v7  }
0x290: {  	s16 =	sadd.s32 $0x4, s16;
	s25 =	sand.u32 $0x50, s8;
	s5 =	sand.u32 $0xC0, s7;
	[tilespmem:s4+$0x0] =	vst.add.f32.msk $0xffff, v3;
	v3 =	vadd.f32 v4, v2;
	v4 =	vmul.f32 v6, v1  }
0x291: {  	p0 =	slt.u32 s16, $0xC;
	s20 =	sand.u32 $0x60, s9;
	s15 =	sand.u32 $0x70, s3;
	v6 =	vld [tilespmem:s5+$0x13200]  }
0x292: {  	s4 =	smov.u32 s19;
	[tilespmem:s6+$0x0] =	vst.add.f32.msk $0xffff, v3;
	v2 =	vadd.f32 v4, v2  }
0x293: {  	s1 =	sadd.s32 $0x200, s1;
	v7 =	vld [tilespmem:s5+$0x13400]  }
0x294: {  	s2 =	sadd.s32 $0x40, s2;
	s8 =	sadd.s32 $0x1980, s1;
	s19 =	sadd.s32 $0x40, s19;
	[tilespmem:s0+$0x0] =	vst.add.f32.msk $0xffff, v2  }
0x295: {  	s6 =	sadd.s32 $0x1900, s1;
	s5 =	sadd.s32 $0x1880, s1;
	s0 =	sand.u32 $0x400, s1;
	v3 =	vld [tilespmem:s2+$0xFFFFFFE0]  }
0x296: {  	s8 =	sand.u32 $0x1C00, s8;
	s5 =	sand.u32 $0x1C00, s5;
	s0 =	sadd.s32 s0, s18;
	v2 =	vmul.f32 v6, v0;
	v5 =	vld [tilespmem:s4+$0xFFFFFFF0]  }
.Ltmp14:
0x297: {  	s6 =	sand.u32 $0x1C00, s6;
	s0 =	sadd.s32 $0x1800, s0;
	v6 =	vmul.f32 v6, v1;
	v4 =	vld [tilespmem:s2+$0xFFFFFFF0];
	(pc) =	sbr.rel @p0 .LBB2_32-.Ltmp14, $4  }
0x298: {  	s7 =	sand.u32 $0x40, s7;
	s5 =	sadd.s32 s5, s18;
	s9 =	sadd.s32 s14, s0;
	v8 =	vadd.f32 v2, v7;
	v2 =	vld [tilespmem:s2+$0x0]  }
0x299: {  	v11 =	vmul.f32 v10, v0;
	s6 =	sadd.s32 s6, s18;
	s0 =	sadd.s32 s10, s0;
	s9 =	sadd.s32 s7, s9;
	v7 =	vadd.f32 v6, v7;
	v6 =	vld [tilespmem:s4+$0x0]  }
0x29a: {  	v9 =	vmul.f32 v10, v1;
	s17 =	sadd.s32 s14, s5;
	s4 =	sadd.s32 s7, s0;
	s0 =	sadd.s32 s8, s18;
	[tilespmem:s9+$0x0] =	vst.add.f32.msk $0xffff, v8  }
0x29b: {  	s21 =	sadd.s32 s10, s5;
	s5 =	sadd.s32 s14, s6;
	[tilespmem:s4+$0x0] =	vst.add.f32.msk $0xffff, v7;
	v7 =	vadd.f32 v11, v3;
	v8 =	vmul.f32 v5, v0;
	s4 =	sadd.s32 s10, s6  }
0x29c: {  	_ = 	snop  }
0x29d: {  	s1 =	sadd.s32 s25, s17;
	v3 =	vadd.f32 v9, v3;
	v5 =	vmul.f32 v5, v1  }
0x29e: {  	s28 =	sadd.s32 s25, s21;
	p0 =	slt.u32 s13, $0xE;
	[tilespmem:s1+$0x0] =	vst.add.f32.msk $0xffff, v7;
	v61 =	vadd.f32 v8, v4;
	v0 =	vmul.f32 v6, v0  }
.Ltmp15:
0x29f: {  	s2 =	sadd.s32 s20, s5;
	[tilespmem:s28+$0x0] =	vst.add.f32.msk $0xffff, v3;
	v62 =	vadd.f32 v5, v4;
	v63 =	vmul.f32 v6, v1;
	(pc) =	sbr.rel @p0 .LBB2_27-.Ltmp15, $4  }
0x2a0: {  	s29 =	sadd.s32 s14, s0;
	s3 =	sadd.s32 s20, s4;
	[tilespmem:s2+$0x0] =	vst.add.f32.msk $0xffff, v61;
	v0 =	vadd.f32 v0, v2  }
0x2a1: {  	s30 =	sadd.s32 s10, s0;
	s1 =	sadd.s32 s15, s29;
	[tilespmem:s3+$0x0] =	vst.add.f32.msk $0xffff, v62;
	v1 =	vadd.f32 v63, v2  }
0x2a2: {  	s31 =	sadd.s32 $0x2, s13;
	s0 =	sadd.s32 s15, s30;
	[tilespmem:s1+$0x0] =	vst.add.f32.msk $0xffff, v0  }
0x2a3: {  	s13 =	smov.u32 s31;
	[tilespmem:s0+$0x0] =	vst.add.f32.msk $0xffff, v1  }
0x2a4: {  	s0 =	rddreg [dreg:$0x8]  }
0x2a5: {  	s1 =	rddreg [dreg:$0x5];
	s0 =	sadd.s32 s0, s11  }
0x2a6: {  	s29 =	simm.s32 $0x0;
	s30 =	rddreg [dreg:$0x16];
	s0 =	sshll.u32 s0, $0x7  }
0x2a7: {  	s2 =	simm.s32 $0xC000;
	p0 =	sgt.u32 s30, $0xC;
	s0 =	sadd.s32 s1, s0  }
0x2a8: {  	[hbm4b:s0+s29] =	stream.linear.scatter [tilespmem:s2], [sflag:$0x8], $0x4000, $0x38;
	[tilespmem:$0x13A80] =	vst v63  }
0x2a9: {  	s0 =	simm.s32 @!p0 $0x7  }
0x2aa: {  	_ =	swait.ge @!p0 [sflag:s0], $0x4000  }
0x2ab: {  	[sflag:s0] =	ssyncset.done @!p0 $0x0;
	s1 =	rddreg [dreg:$0x10]  }
0x2ac: {  	s1 =	sadd.s32 @!p0 s23, s1;
	[sflag:s0] =	ssyncadd.s32 @!p0 $0xFFFFC000  }
0x2ad: {  	s2 =	simm.s32 @!p0 $0x8000;
	s0 =	sshll.u32 @!p0 s1, $0x7;
	s1 =	rddreg [dreg:$0x4]  }
0x2ae: {  	s31 =	rddreg [dreg:$0x13];
	s0 =	sadd.s32 @!p0 s1, s0;
	s1 =	simm.s32 @!p0 $0x0  }
0x2af: {  	[tilespmem:s2], [sflag:$0x3] =	stream.linear.gather @!p0 [hbm4b:s0+s1], $0x4000, $0x38;
	[tilespmem:$0x13A80] =	vst v63  }
0x2b0: {  	s1 =	sadd.s32 $0x1, s31  }
0x2b1: {  	p0 =	sne.s32 s1, $0x4  }
.Ltmp16:
0x2b2: {  	_ = 	snop;
	(pc) =	sbr.rel @p0 .LBB2_2-.Ltmp16, $1  }
0x2b3: {  	_ =	sdelay $0x3  }
0x2b4: {  	s0 =	simm.s32 $0x5  }
0x2b5: {  	_ =	swait.ge [sflag:s0], $0x4000  }
0x2b6: {  	[sflag:s0] =	ssyncset.done $0x0  }
0x2b7: {  	s29 =	simm.s32 $0x6;
	[sflag:s0] =	ssyncadd.s32 $0xFFFFC000  }
0x2b8: {  	_ =	swait.ge [sflag:s29], $0x4000  }
0x2b9: {  	[sflag:s29] =	ssyncset.done $0x0  }
0x2ba: {  	s30 =	simm.s32 $0x7;
	[sflag:s29] =	ssyncadd.s32 $0xFFFFC000  }
0x2bb: {  	_ =	swait.ge [sflag:s30], $0x4000  }
0x2bc: {  	[sflag:s30] =	ssyncset.done $0x0  }
0x2bd: {  	s1 =	simm.s32 $0x8;
	[sflag:s30] =	ssyncadd.s32 $0xFFFFC000  }
0x2be: {  	_ =	swait.ge [sflag:s1], $0x4000  }
0x2bf: {  	s2 =	rddreg [dreg:$0x12]  }
0x2c0: {  	s31 =	rddreg [dreg:$0x11];
	s2 =	sadd.s32 $0x1, s2  }
0x2c1: {  	p0 =	sne.s32 s2, s31  }
.Ltmp17:
0x2c2: {  	_ = 	snop;
	(pc) =	sbr.rel @p0 .LBB2_1-.Ltmp17, $3  }
0x2c3: {  	_ =	sdelay $0x1  }
0x2c4: {  	[sflag:s1] =	ssyncset.done $0x0  }
0x2c5: {  	[sflag:s1] =	ssyncadd.s32 $0xFFFFC000  }
0x2c6: {  	_ =	sfence.sel $0x180000  }
0x2c7: {  	[bflag:$0x0] =	sbarrier.arrive $0xFFFF  }
0x2c8: {  	_ =	strace $0x90000047  }
0x2c9: {  	s0 =	stileid.u32;
	[bflag:$0x2] =	sbarrier.arrive $0xFFFF  }
0x2ca: {  	p0 =	sne.s32 s0, $0x0;
	s0 =	rddreg [dreg:$0x6]  }
0x2cb: {  	s0 =	sadd.s32 @!p0 $0x100000, s0  }
0x2cc: {  	[sflag:s0] =	ssyncadd.tile.s32 @!p0 $0x1;
	_ =	shalt  }
.Lfunc_end2:
_tile_overlayer_lowered:
.L_overlay_start_2:
0x2cd: {  	(tag) =	ssettag $0x2  }
0x2ce: {  	s0 =	rddreg [dreg:$0x0];
	s2 =	stileid.u32  }
0x2cf: {  	s1 =	rddreg [dreg:$0x1];
	p0 =	sne.s32 s2, $0x0  }
0x2d0: {  	s3 =	rddreg [dreg:$0x2];
	[bflag:$0x3] =	sbarrier.arrive $0xFFFF;
	s2 =	simm.s32 @!p0 $0x1C09  }
0x2d1: {  	[timem:s3], [sflag:s2] =	dma.local @!p0 [hbm:s0], s1  }
0x2d2: {  	s0 =	simm.s32 @!p0 $0x9  }
0x2d3: {  	_ =	swait.ge @!p0 [sflag:s0], s1  }
0x2d4: {  	s1 =	ssub.s32 @!p0 $0x0, s1;
	[sflag:s0] =	ssyncset.done @!p0 $0x0  }
0x2d5: {  	[sflag:s0] =	ssyncadd.s32 @!p0 s1  }
0x2d6: {  	[bflag:$0x3] =	sbarrier.arrive $0xFFFF  }
0x2d7: {  	_ =	shalt  }

</sc_bundles>
